<compile_context>
chip_gen: v7x
topology: tpu7x:2x2x1
jax: 0.10.2.dev20260603
libtpu: 0.0.44.dev20260713+nightly
codegen_flags: <defaults>
</compile_context>

<pallas_src>
import functools
import math

import jax
import jax.numpy as jnp
from jax.experimental import pallas as pl

N = 10000
E = 160000
B = 100
S = 4
P = 4
NMAX = 8
RC = 5.0
L9 = 9
Q = P * NMAX
C_F = L9 * Q

EB = 2000
AW = 256
N_PAD = 10496


def _edge_kernel(es_ref, rs_ref, rd_ref, sid_ref, c_ref):
    pid = pl.program_id(0)

    @pl.when(pid == 0)
    def _init():
        c_ref[...] = jnp.zeros_like(c_ref)

    es = es_ref[...]
    rs = rs_ref[...]
    rd = rd_ref[...]
    sid = sid_ref[...]
    awp = rd[:, 3:7]

    x = rd[:, 0:1] - rs[:, 0:1]
    y = rd[:, 1:2] - rs[:, 1:2]
    z = rd[:, 2:3] - rs[:, 2:3]
    s0 = es[:, 2:3]
    s1 = es[:, 3:4]
    s2 = es[:, 4:5]
    x = x + s0 * rs[:, 3:4] + s1 * rs[:, 6:7] + s2 * rs[:, 9:10]
    y = y + s0 * rs[:, 4:5] + s1 * rs[:, 7:8] + s2 * rs[:, 10:11]
    z = z + s0 * rs[:, 5:6] + s1 * rs[:, 8:9] + s2 * rs[:, 11:12]
    r = jnp.sqrt(x * x + y * y + z * z + 1e-12)
    inv_r = 1.0 / r
    ux = x * inv_r
    uy = y * inv_r
    uz = z * inv_r

    fc = 0.5 * (jnp.cos(jnp.pi * jnp.minimum(r, RC) / RC) + 1.0)
    fc = fc * (r < RC).astype(jnp.float32)

    j_lane = jax.lax.broadcasted_iota(jnp.int32, (EB, NMAX), 1).astype(jnp.float32)
    mu = j_lane * (RC / (NMAX - 1))
    sigma = RC / NMAX
    dr = r - mu
    rb = jnp.exp(-(dr * dr) / (2.0 * sigma * sigma)) * fc

    y0 = jnp.full_like(r, 0.28209479)
    y1 = 0.48860251 * uy
    y2 = 0.48860251 * uz
    y3 = 0.48860251 * ux
    y4 = 1.09254843 * ux * uy
    y5 = 1.09254843 * uy * uz
    y6 = 0.31539157 * (3.0 * uz * uz - 1.0)
    y7 = 1.09254843 * ux * uz
    y8 = 0.54627421 * (ux * ux - uy * uy)
    ys = [y0, y1, y2, y3, y4, y5, y6, y7, y8]

    awrb = jnp.concatenate([awp[:, p:p + 1] * rb for p in range(P)], axis=1)
    feat = jnp.concatenate([yl * awrb for yl in ys], axis=1)

    lo = jnp.min(sid)
    hi = jnp.max(sid)
    w0 = lo // AW
    nw = hi // AW - w0 + 1
    lane = jax.lax.broadcasted_iota(jnp.int32, (EB, AW), 1)

    def body(w, carry):
        start = (w0 + w) * AW
        oh = (sid == start + lane).astype(jnp.float32)
        contrib = jax.lax.dot_general(
            oh, feat, (((0,), (0,)), ((), ())),
            preferred_element_type=jnp.float32)
        c_ref[pl.ds(start, AW), :] += contrib
        return carry

    jax.lax.fori_loop(0, nw, body, 0)


def _atom_kernel(c_ref, ohn_ref, ohs_ref, w1t_ref, w2t_ref, w3t_ref,
                 wpst_ref, wct_ref, acc_ref):
    pid = pl.program_id(0)

    @pl.when(pid == 0)
    def _init():
        acc_ref[...] = jnp.zeros_like(acc_ref)

    cb = c_ref[...]

    jrow = jax.lax.broadcasted_iota(jnp.int32, (Q, Q * Q), 1)
    qrow = jax.lax.broadcasted_iota(jnp.int32, (Q, Q * Q), 0)
    r_rep = (jrow // Q == qrow).astype(jnp.float32)
    r_til = (jrow % Q == qrow).astype(jnp.float32)

    groups = ((0, 1, 1.0), (1, 4, 1.0 / math.sqrt(3.0)),
              (4, 9, 1.0 / math.sqrt(5.0)))
    parts = []
    for l0, l1, scale in groups:
        accg = None
        for l in range(l0, l1):
            cl = cb[:, l * Q:(l + 1) * Q]
            a = jnp.dot(cl, r_rep, preferred_element_type=jnp.float32)
            b = jnp.dot(cl, r_til, preferred_element_type=jnp.float32)
            term = a * b
            accg = term if accg is None else accg + term
        parts.append(accg * scale)
    ps = jnp.concatenate(parts, axis=1)

    h1 = jnp.dot(ps, w1t_ref[...], preferred_element_type=jnp.float32)
    h1 = h1 * jax.nn.sigmoid(h1)
    h2 = jnp.dot(h1, w2t_ref[...], preferred_element_type=jnp.float32)
    h2 = h2 * jax.nn.sigmoid(h2)
    e_nn = jnp.dot(h2, w3t_ref[...], preferred_element_type=jnp.float32)
    e_ps = jnp.dot(ps, wpst_ref[...], preferred_element_type=jnp.float32)
    e_comp = jnp.dot(ohn_ref[...], wct_ref[...],
                     preferred_element_type=jnp.float32)
    e_atom = e_nn + e_ps + e_comp

    contrib = jax.lax.dot_general(
        e_atom, ohs_ref[...], (((0,), (0,)), ((), ())),
        preferred_element_type=jnp.float32)
    acc_ref[0:1, :] += contrib


@jax.jit
def kernel(positions, cells, numbers, edge_indices, edge_shifts, ptr,
           W_comp, pseudo_emb, W_pslin, W1, W2, W3):
    n = positions.shape[0]
    e = edge_indices.shape[1]
    struct_id = jnp.searchsorted(ptr, jnp.arange(n), side='right') - 1

    src = edge_indices[0].astype(jnp.int32)
    dst = edge_indices[1].astype(jnp.int32)
    order = jnp.argsort(src)

    et = jnp.concatenate(
        [src.astype(jnp.float32)[:, None], dst.astype(jnp.float32)[:, None],
         edge_shifts], axis=1)
    et_s = et[order]
    srcs = et_s[:, 0].astype(jnp.int32)
    dsts = et_s[:, 1].astype(jnp.int32)
    sid = srcs[:, None]

    percell = cells.reshape(-1, 9)[struct_id]
    tab_src = jnp.concatenate([positions, percell], axis=1)
    tab_dst = jnp.concatenate(
        [positions, pseudo_emb[numbers]], axis=1)
    row_src = tab_src[srcs]
    row_dst = tab_dst[dsts]

    grid_a = e // EB
    c = pl.pallas_call(
        _edge_kernel,
        grid=(grid_a,),
        in_specs=[
            pl.BlockSpec((EB, 5), lambda i: (i, 0)),
            pl.BlockSpec((EB, 12), lambda i: (i, 0)),
            pl.BlockSpec((EB, 7), lambda i: (i, 0)),
            pl.BlockSpec((EB, 1), lambda i: (i, 0)),
        ],
        out_specs=pl.BlockSpec((N_PAD, C_F), lambda i: (0, 0)),
        out_shape=jax.ShapeDtypeStruct((N_PAD, C_F), jnp.float32),
    )(et_s, row_src, row_dst, sid)

    numbers_p = jnp.concatenate(
        [numbers.astype(jnp.int32), jnp.zeros((N_PAD - n,), jnp.int32)])
    struct_p = jnp.concatenate(
        [struct_id.astype(jnp.int32), jnp.full((N_PAD - n,), 127, jnp.int32)])
    ohn = jax.nn.one_hot(numbers_p, 8, dtype=jnp.float32)
    ohs = jax.nn.one_hot(struct_p, 128, dtype=jnp.float32)
    wct = jnp.zeros((8, 1), jnp.float32).at[:S, 0].set(W_comp[0])

    grid_b = N_PAD // AW
    acc = pl.pallas_call(
        _atom_kernel,
        grid=(grid_b,),
        in_specs=[
            pl.BlockSpec((AW, C_F), lambda i: (i, 0)),
            pl.BlockSpec((AW, 8), lambda i: (i, 0)),
            pl.BlockSpec((AW, 128), lambda i: (i, 0)),
            pl.BlockSpec(W1.T.shape, lambda i: (0, 0)),
            pl.BlockSpec(W2.T.shape, lambda i: (0, 0)),
            pl.BlockSpec(W3.T.shape, lambda i: (0, 0)),
            pl.BlockSpec(W_pslin.T.shape, lambda i: (0, 0)),
            pl.BlockSpec((8, 1), lambda i: (0, 0)),
        ],
        out_specs=pl.BlockSpec((8, 128), lambda i: (0, 0)),
        out_shape=jax.ShapeDtypeStruct((8, 128), jnp.float32),
    )(c, ohn, ohs, W1.T, W2.T, W3.T, W_pslin.T, wct)

    b = ptr.shape[0] - 1
    return acc[0, :b][:, None]

# --- scband reference (transcript-rebuilt; emitter-appended) ---
"""Pipeline reference for scband-power-spectrum-model-58368605552774 (READ-ONLY COPY).

The authoritative reference and input builder live on the scoring server;
editing this copy changes nothing except your own understanding.
"""

import jax
import jax.numpy as jnp
import numpy as np

N = 10000
E = 160000
B = 100
S = 4
P = 4
NMAX = 8
RC = 5.0
OUT = 1
FEAT = (P * NMAX) ** 2 * 3


def _sph(u):
    x = u[:, 0]; y = u[:, 1]; z = u[:, 2]
    return jnp.stack([
        0.28209479 * jnp.ones_like(x),
        0.48860251 * y, 0.48860251 * z, 0.48860251 * x,
        1.09254843 * x * y, 1.09254843 * y * z,
        0.31539157 * (3.0 * z * z - 1.0),
        1.09254843 * x * z, 0.54627421 * (x * x - y * y)
    ], axis=1)


def setup_inputs(seed: int = 0):
    key = jax.random.key(seed)
    ks = jax.random.split(key, 12)
    positions = jax.random.uniform(ks[0], (N, 3), jnp.float32, 0.0, 10.0)
    cells = jnp.tile(10.0 * jnp.eye(3, dtype=jnp.float32)[None], (B, 1, 1)) + 0.01 * jax.random.normal(ks[1], (B, 3, 3), jnp.float32)
    numbers = jax.random.randint(ks[2], (N,), 0, S)
    edge_indices = jax.random.randint(ks[3], (2, E), 0, N)
    edge_shifts = jax.random.randint(ks[4], (E, 3), -1, 2).astype(jnp.float32)
    ptr = jnp.arange(B + 1, dtype=jnp.int32) * (N // B)
    W_comp = 0.1 * jax.random.normal(ks[5], (OUT, S), jnp.float32)
    pseudo_emb = jax.random.normal(ks[6], (S, P), jnp.float32)
    W_pslin = jax.random.normal(ks[7], (OUT, FEAT), jnp.float32) / np.sqrt(FEAT)
    W1 = jax.random.normal(ks[8], (512, FEAT), jnp.float32) / np.sqrt(FEAT)
    W2 = jax.random.normal(ks[9], (256, 512), jnp.float32) / np.sqrt(512.0)
    W3 = jax.random.normal(ks[10], (OUT, 256), jnp.float32) / np.sqrt(256.0)
    return {"positions": positions, "cells": cells, "numbers": numbers, "edge_indices": edge_indices, "edge_shifts": edge_shifts, "ptr": ptr, "W_comp": W_comp, "pseudo_emb": pseudo_emb, "W_pslin": W_pslin, "W1": W1, "W2": W2, "W3": W3}


def reference(positions, cells, numbers, edge_indices, edge_shifts, ptr, W_comp, pseudo_emb, W_pslin, W1, W2, W3):
    Nn = positions.shape[0]
    Bb = ptr.shape[0] - 1
    Ee = edge_indices.shape[1]
    struct_id = jnp.searchsorted(ptr, jnp.arange(Nn), side='right') - 1
    comp = jax.ops.segment_sum(jax.nn.one_hot(numbers, S, dtype=positions.dtype), struct_id, num_segments=Bb)
    energies = comp @ W_comp.T
    src = edge_indices[0]
    dst = edge_indices[1]
    cell_e = cells[struct_id[src]]
    rvec = positions[dst] - positions[src] + jnp.einsum('ek,ekl->el', edge_shifts, cell_e)
    r = jnp.sqrt(jnp.sum(rvec * rvec, axis=1) + 1e-12)
    u = rvec / r[:, None]
    fc = 0.5 * (jnp.cos(jnp.pi * jnp.minimum(r, RC) / RC) + 1.0) * (r < RC).astype(positions.dtype)
    mu = jnp.linspace(0.0, RC, NMAX).astype(positions.dtype)
    sigma = RC / NMAX
    Rb = jnp.exp(-((r[:, None] - mu[None, :]) ** 2) / (2.0 * sigma * sigma)) * fc[:, None]
    Y = _sph(u)
    aw = pseudo_emb[numbers[dst]]
    edge_feat = (aw[:, :, None, None] * Rb[:, None, :, None] * Y[:, None, None, :]).reshape(Ee, P * NMAX, 9)
    c = jax.ops.segment_sum(edge_feat, src, num_segments=Nn)
    c0 = c[:, :, 0:1]; c1 = c[:, :, 1:4]; c2 = c[:, :, 4:9]
    p0 = jnp.einsum('nqm,npm->nqp', c0, c0).reshape(Nn, -1)
    p1 = jnp.einsum('nqm,npm->nqp', c1, c1).reshape(Nn, -1) / np.sqrt(3.0)
    p2 = jnp.einsum('nqm,npm->nqp', c2, c2).reshape(Nn, -1) / np.sqrt(5.0)
    ps = jnp.concatenate([p0, p1, p2], axis=1)
    energies = energies.at[struct_id].add(ps @ W_pslin.T)
    h = jax.nn.silu(ps @ W1.T)
    h = jax.nn.silu(h @ W2.T)
    psnn = h @ W3.T
    energies = energies.at[struct_id].add(psnn)
    return energies

if __name__ == "__main__":
    import jax
    _d = setup_inputs()
    print(jax.jit(kernel)(*tuple(_d.values())))

</pallas_src>

<mosaic_0001>
module attributes {stable_mosaic.version = 14 : i64} {
  func.func @_edge_kernel(%arg0: i32, %arg1: memref<2000x5xf32, #tpu.memory_space<vmem>>, %arg2: memref<2000x12xf32, #tpu.memory_space<vmem>>, %arg3: memref<2000x7xf32, #tpu.memory_space<vmem>>, %arg4: memref<2000x1xi32, #tpu.memory_space<vmem>>, %arg5: memref<10496x288xf32, #tpu.memory_space<vmem>>) attributes {dimension_semantics = [#tpu.dimension_semantics<arbitrary>], iteration_bounds = array<i64: 80>, scalar_prefetch = 0 : i64, scratch_operands = 0 : i64, tpu.core_type = #tpu.core_type<tc>, window_params = [{transform_indices = @transform_0, window_bounds = array<i64: 2000, 5>}, {transform_indices = @transform_1, window_bounds = array<i64: 2000, 12>}, {transform_indices = @transform_2, window_bounds = array<i64: 2000, 7>}, {transform_indices = @transform_3, window_bounds = array<i64: 2000, 1>}, {pipeline_mode = #tpu.pipeline_mode<synchronous>, transform_indices = @transform_4, window_bounds = array<i64: 10496, 288>}]} {
    %eq3A = arith.constant 0 : i32
    %eq3A_0 = arith.cmpi eq, %arg0, %eq3A : i32
    %convert_element_type3A = arith.extui %eq3A_0 : i1 to i32
    %cond3A = arith.constant 0 : i32
    %cond3A_1 = arith.cmpi ne, %convert_element_type3A, %cond3A : i32
    scf.if %cond3A_1 {
      %broadcast_in_dim3A_227 = arith.constant 0.000000e+00 : f32
      %broadcast_in_dim3A_228 = vector.broadcast %broadcast_in_dim3A_227 : f32 to vector<10496x288xf32>
      %swap3A = arith.constant 0 : index
      %swap3A_229 = arith.constant 0 : index
      %swap3A_230 = vector.load %arg5[%swap3A, %swap3A_229] : memref<10496x288xf32, #tpu.memory_space<vmem>>, vector<10496x288xf32>
      tpu.vector_store %arg5[%swap3A, %swap3A_229], %broadcast_in_dim3A_228 {strides = array<i32>} : memref<10496x288xf32, #tpu.memory_space<vmem>>, vector<10496x288xf32>,
    } else {
    }
    %get3A = arith.constant 0 : index
    %get3A_2 = arith.constant 0 : index
    %get3A_3 = vector.load %arg1[%get3A, %get3A_2] : memref<2000x5xf32, #tpu.memory_space<vmem>>, vector<2000x5xf32>
    %get3A_4 = arith.constant 0 : index
    %get3A_5 = arith.constant 0 : index
    %get3A_6 = vector.load %arg2[%get3A_4, %get3A_5] : memref<2000x12xf32, #tpu.memory_space<vmem>>, vector<2000x12xf32>
    %get3A_7 = arith.constant 0 : index
    %get3A_8 = arith.constant 0 : index
    %get3A_9 = vector.load %arg3[%get3A_7, %get3A_8] : memref<2000x7xf32, #tpu.memory_space<vmem>>, vector<2000x7xf32>
    %get3A_10 = arith.constant 0 : index
    %get3A_11 = arith.constant 0 : index
    %get3A_12 = vector.load %arg4[%get3A_10, %get3A_11] : memref<2000x1xi32, #tpu.memory_space<vmem>>, vector<2000x1xi32>
    %slice3A = vector.extract_strided_slice %get3A_9 {offsets = [0, 3], sizes = [2000, 4], strides = [1, 1]} : vector<2000x7xf32> to vector<2000x4xf32>
    %slice3A_13 = vector.extract_strided_slice %get3A_9 {offsets = [0, 0], sizes = [2000, 1], strides = [1, 1]} : vector<2000x7xf32> to vector<2000x1xf32>
    %slice3A_14 = vector.extract_strided_slice %get3A_6 {offsets = [0, 0], sizes = [2000, 1], strides = [1, 1]} : vector<2000x12xf32> to vector<2000x1xf32>
    %sub3A = arith.subf %slice3A_13, %slice3A_14 : vector<2000x1xf32>
    %slice3A_15 = vector.extract_strided_slice %get3A_9 {offsets = [0, 1], sizes = [2000, 1], strides = [1, 1]} : vector<2000x7xf32> to vector<2000x1xf32>
    %slice3A_16 = vector.extract_strided_slice %get3A_6 {offsets = [0, 1], sizes = [2000, 1], strides = [1, 1]} : vector<2000x12xf32> to vector<2000x1xf32>
    %sub3A_17 = arith.subf %slice3A_15, %slice3A_16 : vector<2000x1xf32>
    %slice3A_18 = vector.extract_strided_slice %get3A_9 {offsets = [0, 2], sizes = [2000, 1], strides = [1, 1]} : vector<2000x7xf32> to vector<2000x1xf32>
    %slice3A_19 = vector.extract_strided_slice %get3A_6 {offsets = [0, 2], sizes = [2000, 1], strides = [1, 1]} : vector<2000x12xf32> to vector<2000x1xf32>
    %sub3A_20 = arith.subf %slice3A_18, %slice3A_19 : vector<2000x1xf32>
    %slice3A_21 = vector.extract_strided_slice %get3A_3 {offsets = [0, 2], sizes = [2000, 1], strides = [1, 1]} : vector<2000x5xf32> to vector<2000x1xf32>
    %slice3A_22 = vector.extract_strided_slice %get3A_3 {offsets = [0, 3], sizes = [2000, 1], strides = [1, 1]} : vector<2000x5xf32> to vector<2000x1xf32>
    %slice3A_23 = vector.extract_strided_slice %get3A_3 {offsets = [0, 4], sizes = [2000, 1], strides = [1, 1]} : vector<2000x5xf32> to vector<2000x1xf32>
    %slice3A_24 = vector.extract_strided_slice %get3A_6 {offsets = [0, 3], sizes = [2000, 1], strides = [1, 1]} : vector<2000x12xf32> to vector<2000x1xf32>
    %mul3A = arith.mulf %slice3A_21, %slice3A_24 : vector<2000x1xf32>
    %add3A = arith.addf %sub3A, %mul3A : vector<2000x1xf32>
    %slice3A_25 = vector.extract_strided_slice %get3A_6 {offsets = [0, 6], sizes = [2000, 1], strides = [1, 1]} : vector<2000x12xf32> to vector<2000x1xf32>
    %mul3A_26 = arith.mulf %slice3A_22, %slice3A_25 : vector<2000x1xf32>
    %add3A_27 = arith.addf %add3A, %mul3A_26 : vector<2000x1xf32>
    %slice3A_28 = vector.extract_strided_slice %get3A_6 {offsets = [0, 9], sizes = [2000, 1], strides = [1, 1]} : vector<2000x12xf32> to vector<2000x1xf32>
    %mul3A_29 = arith.mulf %slice3A_23, %slice3A_28 : vector<2000x1xf32>
    %add3A_30 = arith.addf %add3A_27, %mul3A_29 : vector<2000x1xf32>
    %slice3A_31 = vector.extract_strided_slice %get3A_6 {offsets = [0, 4], sizes = [2000, 1], strides = [1, 1]} : vector<2000x12xf32> to vector<2000x1xf32>
    %mul3A_32 = arith.mulf %slice3A_21, %slice3A_31 : vector<2000x1xf32>
    %add3A_33 = arith.addf %sub3A_17, %mul3A_32 : vector<2000x1xf32>
    %slice3A_34 = vector.extract_strided_slice %get3A_6 {offsets = [0, 7], sizes = [2000, 1], strides = [1, 1]} : vector<2000x12xf32> to vector<2000x1xf32>
    %mul3A_35 = arith.mulf %slice3A_22, %slice3A_34 : vector<2000x1xf32>
    %add3A_36 = arith.addf %add3A_33, %mul3A_35 : vector<2000x1xf32>
    %slice3A_37 = vector.extract_strided_slice %get3A_6 {offsets = [0, 10], sizes = [2000, 1], strides = [1, 1]} : vector<2000x12xf32> to vector<2000x1xf32>
    %mul3A_38 = arith.mulf %slice3A_23, %slice3A_37 : vector<2000x1xf32>
    %add3A_39 = arith.addf %add3A_36, %mul3A_38 : vector<2000x1xf32>
    %slice3A_40 = vector.extract_strided_slice %get3A_6 {offsets = [0, 5], sizes = [2000, 1], strides = [1, 1]} : vector<2000x12xf32> to vector<2000x1xf32>
    %mul3A_41 = arith.mulf %slice3A_21, %slice3A_40 : vector<2000x1xf32>
    %add3A_42 = arith.addf %sub3A_20, %mul3A_41 : vector<2000x1xf32>
    %slice3A_43 = vector.extract_strided_slice %get3A_6 {offsets = [0, 8], sizes = [2000, 1], strides = [1, 1]} : vector<2000x12xf32> to vector<2000x1xf32>
    %mul3A_44 = arith.mulf %slice3A_22, %slice3A_43 : vector<2000x1xf32>
    %add3A_45 = arith.addf %add3A_42, %mul3A_44 : vector<2000x1xf32>
    %slice3A_46 = vector.extract_strided_slice %get3A_6 {offsets = [0, 11], sizes = [2000, 1], strides = [1, 1]} : vector<2000x12xf32> to vector<2000x1xf32>
    %mul3A_47 = arith.mulf %slice3A_23, %slice3A_46 : vector<2000x1xf32>
    %add3A_48 = arith.addf %add3A_45, %mul3A_47 : vector<2000x1xf32>
    %mul3A_49 = arith.mulf %add3A_30, %add3A_30 : vector<2000x1xf32>
    %mul3A_50 = arith.mulf %add3A_39, %add3A_39 : vector<2000x1xf32>
    %add3A_51 = arith.addf %mul3A_49, %mul3A_50 : vector<2000x1xf32>
    %mul3A_52 = arith.mulf %add3A_48, %add3A_48 : vector<2000x1xf32>
    %add3A_53 = arith.addf %add3A_51, %mul3A_52 : vector<2000x1xf32>
    %add3A_54 = arith.constant 9.99999996E-13 : f32
    %add3A_55 = vector.broadcast %add3A_54 : f32 to vector<2000x1xf32>
    %add3A_56 = arith.addf %add3A_53, %add3A_55 : vector<2000x1xf32>
    %sqrt3A = math.sqrt %add3A_56 : vector<2000x1xf32>
    %div3A = arith.constant 1.000000e+00 : f32
    %div3A_57 = vector.broadcast %div3A : f32 to vector<2000x1xf32>
    %div3A_58 = arith.divf %div3A_57, %sqrt3A : vector<2000x1xf32>
    %mul3A_59 = arith.mulf %add3A_30, %div3A_58 : vector<2000x1xf32>
    %mul3A_60 = arith.mulf %add3A_39, %div3A_58 : vector<2000x1xf32>
    %mul3A_61 = arith.mulf %add3A_48, %div3A_58 : vector<2000x1xf32>
    %min3A = arith.constant 5.000000e+00 : f32
    %min3A_62 = vector.broadcast %min3A : f32 to vector<2000x1xf32>
    %min3A_63 = arith.minimumf %sqrt3A, %min3A_62 : vector<2000x1xf32>
    %mul3A_64 = arith.constant 3.14159274 : f32
    %mul3A_65 = vector.broadcast %mul3A_64 : f32 to vector<2000x1xf32>
    %mul3A_66 = arith.mulf %mul3A_65, %min3A_63 : vector<2000x1xf32>
    %div3A_67 = arith.constant 5.000000e+00 : f32
    %div3A_68 = vector.broadcast %div3A_67 : f32 to vector<2000x1xf32>
    %div3A_69 = arith.divf %mul3A_66, %div3A_68 : vector<2000x1xf32>
    %cos3A = math.cos %div3A_69 : vector<2000x1xf32>
    %add3A_70 = arith.constant 1.000000e+00 : f32
    %add3A_71 = vector.broadcast %add3A_70 : f32 to vector<2000x1xf32>
    %add3A_72 = arith.addf %cos3A, %add3A_71 : vector<2000x1xf32>
    %mul3A_73 = arith.constant 5.000000e-01 : f32
    %mul3A_74 = vector.broadcast %mul3A_73 : f32 to vector<2000x1xf32>
    %mul3A_75 = arith.mulf %mul3A_74, %add3A_72 : vector<2000x1xf32>
    %lt3A = arith.constant 5.000000e+00 : f32
    %lt3A_76 = vector.broadcast %lt3A : f32 to vector<2000x1xf32>
    %lt3A_77 = arith.cmpf olt, %sqrt3A, %lt3A_76 : vector<2000x1xf32>
    %convert_element_type3A_78 = arith.extui %lt3A_77 : vector<2000x1xi1> to vector<2000x1xi32>
    %convert_element_type3A_79 = arith.sitofp %convert_element_type3A_78 : vector<2000x1xi32> to vector<2000x1xf32>
    %mul3A_80 = arith.mulf %mul3A_75, %convert_element_type3A_79 : vector<2000x1xf32>
    %iota3A = tpu.iota {dimensions = array<i32: 1>} : vector<2000x8xi32>
    %convert_element_type3A_81 = arith.sitofp %iota3A : vector<2000x8xi32> to vector<2000x8xf32>
    %mul3A_82 = arith.constant 0.714285731 : f32
    %mul3A_83 = vector.broadcast %mul3A_82 : f32 to vector<2000x8xf32>
    %mul3A_84 = arith.mulf %convert_element_type3A_81, %mul3A_83 : vector<2000x8xf32>
    %sub3A_85 = vector.broadcast %sqrt3A : vector<2000x1xf32> to vector<2000x8xf32>
    %sub3A_86 = arith.subf %sub3A_85, %mul3A_84 : vector<2000x8xf32>
    %mul3A_87 = arith.mulf %sub3A_86, %sub3A_86 : vector<2000x8xf32>
    %neg3A = arith.constant 0.000000e+00 : f32
    %neg3A_88 = vector.broadcast %neg3A : f32 to vector<2000x8xf32>
    %neg3A_89 = arith.subf %neg3A_88, %mul3A_87 : vector<2000x8xf32>
    %div3A_90 = arith.constant 7.812500e-01 : f32
    %div3A_91 = vector.broadcast %div3A_90 : f32 to vector<2000x8xf32>
    %div3A_92 = arith.divf %neg3A_89, %div3A_91 : vector<2000x8xf32>
    %exp3A = math.exp %div3A_92 : vector<2000x8xf32>
    %mul3A_93 = vector.broadcast %mul3A_80 : vector<2000x1xf32> to vector<2000x8xf32>
    %mul3A_94 = arith.mulf %exp3A, %mul3A_93 : vector<2000x8xf32>
    %broadcast_in_dim3A = arith.constant 0.282094777 : f32
    %broadcast_in_dim3A_95 = vector.broadcast %broadcast_in_dim3A : f32 to vector<2000x1xf32>
    %mul3A_96 = arith.constant 0.488602519 : f32
    %mul3A_97 = vector.broadcast %mul3A_96 : f32 to vector<2000x1xf32>
    %mul3A_98 = arith.mulf %mul3A_97, %mul3A_60 : vector<2000x1xf32>
    %mul3A_99 = arith.constant 0.488602519 : f32
    %mul3A_100 = vector.broadcast %mul3A_99 : f32 to vector<2000x1xf32>
    %mul3A_101 = arith.mulf %mul3A_100, %mul3A_61 : vector<2000x1xf32>
    %mul3A_102 = arith.constant 0.488602519 : f32
    %mul3A_103 = vector.broadcast %mul3A_102 : f32 to vector<2000x1xf32>
    %mul3A_104 = arith.mulf %mul3A_103, %mul3A_59 : vector<2000x1xf32>
    %mul3A_105 = arith.constant 1.09254849 : f32
    %mul3A_106 = vector.broadcast %mul3A_105 : f32 to vector<2000x1xf32>
    %mul3A_107 = arith.mulf %mul3A_106, %mul3A_59 : vector<2000x1xf32>
    %mul3A_108 = arith.mulf %mul3A_107, %mul3A_60 : vector<2000x1xf32>
    %mul3A_109 = arith.constant 1.09254849 : f32
    %mul3A_110 = vector.broadcast %mul3A_109 : f32 to vector<2000x1xf32>
    %mul3A_111 = arith.mulf %mul3A_110, %mul3A_60 : vector<2000x1xf32>
    %mul3A_112 = arith.mulf %mul3A_111, %mul3A_61 : vector<2000x1xf32>
    %mul3A_113 = arith.constant 3.000000e+00 : f32
    %mul3A_114 = vector.broadcast %mul3A_113 : f32 to vector<2000x1xf32>
    %mul3A_115 = arith.mulf %mul3A_114, %mul3A_61 : vector<2000x1xf32>
    %mul3A_116 = arith.mulf %mul3A_115, %mul3A_61 : vector<2000x1xf32>
    %sub3A_117 = arith.constant 1.000000e+00 : f32
    %sub3A_118 = vector.broadcast %sub3A_117 : f32 to vector<2000x1xf32>
    %sub3A_119 = arith.subf %mul3A_116, %sub3A_118 : vector<2000x1xf32>
    %mul3A_120 = arith.constant 0.31539157 : f32
    %mul3A_121 = vector.broadcast %mul3A_120 : f32 to vector<2000x1xf32>
    %mul3A_122 = arith.mulf %mul3A_121, %sub3A_119 : vector<2000x1xf32>
    %mul3A_123 = arith.constant 1.09254849 : f32
    %mul3A_124 = vector.broadcast %mul3A_123 : f32 to vector<2000x1xf32>
    %mul3A_125 = arith.mulf %mul3A_124, %mul3A_59 : vector<2000x1xf32>
    %mul3A_126 = arith.mulf %mul3A_125, %mul3A_61 : vector<2000x1xf32>
    %mul3A_127 = arith.mulf %mul3A_59, %mul3A_59 : vector<2000x1xf32>
    %mul3A_128 = arith.mulf %mul3A_60, %mul3A_60 : vector<2000x1xf32>
    %sub3A_129 = arith.subf %mul3A_127, %mul3A_128 : vector<2000x1xf32>
    %mul3A_130 = arith.constant 0.546274185 : f32
    %mul3A_131 = vector.broadcast %mul3A_130 : f32 to vector<2000x1xf32>
    %mul3A_132 = arith.mulf %mul3A_131, %sub3A_129 : vector<2000x1xf32>
    %slice3A_133 = vector.extract_strided_slice %slice3A {offsets = [0, 0], sizes = [2000, 1], strides = [1, 1]} : vector<2000x4xf32> to vector<2000x1xf32>
    %mul3A_134 = vector.broadcast %slice3A_133 : vector<2000x1xf32> to vector<2000x8xf32>
    %mul3A_135 = arith.mulf %mul3A_134, %mul3A_94 : vector<2000x8xf32>
    %slice3A_136 = vector.extract_strided_slice %slice3A {offsets = [0, 1], sizes = [2000, 1], strides = [1, 1]} : vector<2000x4xf32> to vector<2000x1xf32>
    %mul3A_137 = vector.broadcast %slice3A_136 : vector<2000x1xf32> to vector<2000x8xf32>
    %mul3A_138 = arith.mulf %mul3A_137, %mul3A_94 : vector<2000x8xf32>
    %slice3A_139 = vector.extract_strided_slice %slice3A {offsets = [0, 2], sizes = [2000, 1], strides = [1, 1]} : vector<2000x4xf32> to vector<2000x1xf32>
    %mul3A_140 = vector.broadcast %slice3A_139 : vector<2000x1xf32> to vector<2000x8xf32>
    %mul3A_141 = arith.mulf %mul3A_140, %mul3A_94 : vector<2000x8xf32>
    %slice3A_142 = vector.extract_strided_slice %slice3A {offsets = [0, 3], sizes = [2000, 1], strides = [1, 1]} : vector<2000x4xf32> to vector<2000x1xf32>
    %mul3A_143 = vector.broadcast %slice3A_142 : vector<2000x1xf32> to vector<2000x8xf32>
    %mul3A_144 = arith.mulf %mul3A_143, %mul3A_94 : vector<2000x8xf32>
    %concatenate3A = tpu.concatenate %mul3A_135, %mul3A_138, %mul3A_141, %mul3A_144 in 1 : vector<2000x8xf32>, vector<2000x8xf32>, vector<2000x8xf32>, vector<2000x8xf32> -> vector<2000x32xf32>
    %mul3A_145 = vector.broadcast %broadcast_in_dim3A_95 : vector<2000x1xf32> to vector<2000x32xf32>
    %mul3A_146 = arith.mulf %mul3A_145, %concatenate3A : vector<2000x32xf32>
    %mul3A_147 = vector.broadcast %mul3A_98 : vector<2000x1xf32> to vector<2000x32xf32>
    %mul3A_148 = arith.mulf %mul3A_147, %concatenate3A : vector<2000x32xf32>
    %mul3A_149 = vector.broadcast %mul3A_101 : vector<2000x1xf32> to vector<2000x32xf32>
    %mul3A_150 = arith.mulf %mul3A_149, %concatenate3A : vector<2000x32xf32>
    %mul3A_151 = vector.broadcast %mul3A_104 : vector<2000x1xf32> to vector<2000x32xf32>
    %mul3A_152 = arith.mulf %mul3A_151, %concatenate3A : vector<2000x32xf32>
    %mul3A_153 = vector.broadcast %mul3A_108 : vector<2000x1xf32> to vector<2000x32xf32>
    %mul3A_154 = arith.mulf %mul3A_153, %concatenate3A : vector<2000x32xf32>
    %mul3A_155 = vector.broadcast %mul3A_112 : vector<2000x1xf32> to vector<2000x32xf32>
    %mul3A_156 = arith.mulf %mul3A_155, %concatenate3A : vector<2000x32xf32>
    %mul3A_157 = vector.broadcast %mul3A_122 : vector<2000x1xf32> to vector<2000x32xf32>
    %mul3A_158 = arith.mulf %mul3A_157, %concatenate3A : vector<2000x32xf32>
    %mul3A_159 = vector.broadcast %mul3A_126 : vector<2000x1xf32> to vector<2000x32xf32>
    %mul3A_160 = arith.mulf %mul3A_159, %concatenate3A : vector<2000x32xf32>
    %mul3A_161 = vector.broadcast %mul3A_132 : vector<2000x1xf32> to vector<2000x32xf32>
    %mul3A_162 = arith.mulf %mul3A_161, %concatenate3A : vector<2000x32xf32>
    %concatenate3A_163 = tpu.concatenate %mul3A_146, %mul3A_148, %mul3A_150, %mul3A_152, %mul3A_154, %mul3A_156, %mul3A_158, %mul3A_160, %mul3A_162 in 1 : vector<2000x32xf32>, vector<2000x32xf32>, vector<2000x32xf32>, vector<2000x32xf32>, vector<2000x32xf32>, vector<2000x32xf32>, vector<2000x32xf32>, vector<2000x32xf32>, vector<2000x32xf32> -> vector<2000x288xf32>
    %reduce_min3A = vector.shape_cast %get3A_12 : vector<2000x1xi32> to vector<1x2000x1xi32>
    %reduce_min3A_164 = arith.constant dense<2147483647> : vector<1xi32>
    %reduce_min3A_165 = vector.multi_reduction <minsi>, %reduce_min3A, %reduce_min3A_164 [1, 2] : vector<1x2000x1xi32> to vector<1xi32>
    %reduce_min3A_166 = vector.shape_cast %reduce_min3A_165 : vector<1xi32> to vector<1x1x1xi32>
    %reduce_min3A_167 = vector.extract %reduce_min3A_166[0, 0, 0] : i32 from vector<1x1x1xi32>
    %reduce_max3A = vector.shape_cast %get3A_12 : vector<2000x1xi32> to vector<1x2000x1xi32>
    %reduce_max3A_168 = arith.constant dense<-2147483648> : vector<1xi32>
    %reduce_max3A_169 = vector.multi_reduction <maxsi>, %reduce_max3A, %reduce_max3A_168 [1, 2] : vector<1x2000x1xi32> to vector<1xi32>
    %reduce_max3A_170 = vector.shape_cast %reduce_max3A_169 : vector<1xi32> to vector<1x1x1xi32>
    %reduce_max3A_171 = vector.extract %reduce_max3A_170[0, 0, 0] : i32 from vector<1x1x1xi32>
    %jit3A = arith.constant 256 : i32
    %div3A_172 = arith.divsi %reduce_min3A_167, %jit3A : i32
    %sign3A = arith.constant 0 : i32
    %sign3A_173 = arith.cmpi sgt, %reduce_min3A_167, %sign3A : i32
    %sign3A_174 = arith.extui %sign3A_173 : i1 to i32
    %sign3A_175 = arith.constant 0 : i32
    %sign3A_176 = arith.cmpi slt, %reduce_min3A_167, %sign3A_175 : i32
    %sign3A_177 = arith.extui %sign3A_176 : i1 to i32
    %sign3A_178 = arith.subi %sign3A_174, %sign3A_177 : i32
    %sign3A_179 = arith.constant 0 : i32
    %sign3A_180 = arith.cmpi sgt, %jit3A, %sign3A_179 : i32
    %sign3A_181 = arith.extui %sign3A_180 : i1 to i32
    %sign3A_182 = arith.constant 0 : i32
    %sign3A_183 = arith.cmpi slt, %jit3A, %sign3A_182 : i32
    %sign3A_184 = arith.extui %sign3A_183 : i1 to i32
    %sign3A_185 = arith.subi %sign3A_181, %sign3A_184 : i32
    %ne3A = arith.cmpi ne, %sign3A_178, %sign3A_185 : i32
    %rem3A = arith.remsi %reduce_min3A_167, %jit3A : i32
    %ne3A_186 = arith.constant 0 : i32
    %ne3A_187 = arith.cmpi ne, %rem3A, %ne3A_186 : i32
    %and3A = arith.andi %ne3A, %ne3A_187 : i1
    %sub3A_188 = arith.constant 1 : i32
    %sub3A_189 = arith.subi %div3A_172, %sub3A_188 : i32
    %select_n3A = arith.select %and3A, %sub3A_189, %div3A_172 : i32
    %jit3A_190 = arith.constant 256 : i32
    %div3A_191 = arith.divsi %reduce_max3A_171, %jit3A_190 : i32
    %sign3A_192 = arith.constant 0 : i32
    %sign3A_193 = arith.cmpi sgt, %reduce_max3A_171, %sign3A_192 : i32
    %sign3A_194 = arith.extui %sign3A_193 : i1 to i32
    %sign3A_195 = arith.constant 0 : i32
    %sign3A_196 = arith.cmpi slt, %reduce_max3A_171, %sign3A_195 : i32
    %sign3A_197 = arith.extui %sign3A_196 : i1 to i32
    %sign3A_198 = arith.subi %sign3A_194, %sign3A_197 : i32
    %sign3A_199 = arith.constant 0 : i32
    %sign3A_200 = arith.cmpi sgt, %jit3A_190, %sign3A_199 : i32
    %sign3A_201 = arith.extui %sign3A_200 : i1 to i32
    %sign3A_202 = arith.constant 0 : i32
    %sign3A_203 = arith.cmpi slt, %jit3A_190, %sign3A_202 : i32
    %sign3A_204 = arith.extui %sign3A_203 : i1 to i32
    %sign3A_205 = arith.subi %sign3A_201, %sign3A_204 : i32
    %ne3A_206 = arith.cmpi ne, %sign3A_198, %sign3A_205 : i32
    %rem3A_207 = arith.remsi %reduce_max3A_171, %jit3A_190 : i32
    %ne3A_208 = arith.constant 0 : i32
    %ne3A_209 = arith.cmpi ne, %rem3A_207, %ne3A_208 : i32
    %and3A_210 = arith.andi %ne3A_206, %ne3A_209 : i1
    %sub3A_211 = arith.constant 1 : i32
    %sub3A_212 = arith.subi %div3A_191, %sub3A_211 : i32
    %select_n3A_213 = arith.select %and3A_210, %sub3A_212, %div3A_191 : i32
    %sub3A_214 = arith.subi %select_n3A_213, %select_n3A : i32
    %add3A_215 = arith.constant 1 : i32
    %add3A_216 = arith.addi %sub3A_214, %add3A_215 : i32
    %iota3A_217 = tpu.iota {dimensions = array<i32: 1>} : vector<2000x256xi32>
    %while3A = arith.constant 0 : i32
    %while3A_218 = arith.constant 0 : i32
    %while3A_219 = arith.subi %add3A_216, %while3A_218 : i32
    %while3A_220 = arith.addi %while3A_218, %while3A_219 : i32
    %while3A_221 = arith.constant 1 : i32
    %while3A_222 = arith.divsi %while3A_219, %while3A_221 : i32
    %while3A_223 = arith.muli %while3A_222, %while3A_221 : i32
    %while3A_224 = arith.addi %while3A_218, %while3A_223 : i32
    %while3A_225 = arith.constant 1 : i32
    scf.for %while3A_227 = %while3A_218 to %while3A_224 step %while3A_225  : i32 {
      %add3A_228 = arith.addi %select_n3A, %while3A_227 : i32
      %mul3A_229 = arith.constant 256 : i32
      %mul3A_230 = arith.muli %add3A_228, %mul3A_229 : i32
      %add3A_231 = vector.broadcast %mul3A_230 : i32 to vector<2000x256xi32>
      %add3A_232 = arith.addi %add3A_231, %iota3A_217 : vector<2000x256xi32>
      %eq3A_233 = vector.broadcast %get3A_12 : vector<2000x1xi32> to vector<2000x256xi32>
      %eq3A_234 = arith.cmpi eq, %eq3A_233, %add3A_232 : vector<2000x256xi32>
      %convert_element_type3A_235 = arith.extui %eq3A_234 : vector<2000x256xi1> to vector<2000x256xi32>
      %convert_element_type3A_236 = arith.sitofp %convert_element_type3A_235 : vector<2000x256xi32> to vector<2000x256xf32>
      %dot_general3A = arith.constant dense<0.000000e+00> : vector<256x288xf32>
      %dot_general3A_237 = tpu.matmul %convert_element_type3A_236, %concatenate3A_163, %dot_general3A {dimension_numbers = #tpu.dot_dimension_numbers<[0], [0], [1], [1], [0, 1, 1, 1], [], []>, transpose_lhs_hint = false} : vector<2000x256xf32>, vector<2000x288xf32>, vector<256x288xf32> -> vector<256x288xf32>
      %get3A_238 = arith.index_cast %mul3A_230 : i32 to index
      %get3A_239 = arith.constant 0 : index
      %get3A_240 = vector.load %arg5[%get3A_238, %get3A_239] : memref<10496x288xf32, #tpu.memory_space<vmem>>, vector<256x288xf32>
      %add3A_241 = arith.addf %get3A_240, %dot_general3A_237 : vector<256x288xf32>
      %swap3A = arith.index_cast %mul3A_230 : i32 to index
      %swap3A_242 = arith.constant 0 : index
      %swap3A_243 = vector.load %arg5[%swap3A, %swap3A_242] : memref<10496x288xf32, #tpu.memory_space<vmem>>, vector<256x288xf32>
      tpu.vector_store %arg5[%swap3A, %swap3A_242], %add3A_241 {strides = array<i32>} : memref<10496x288xf32, #tpu.memory_space<vmem>>, vector<256x288xf32>,
    }
    %while3A_226 = arith.constant 1 : i32
    scf.for %while3A_227 = %while3A_224 to %while3A_220 step %while3A_226  : i32 {
      %add3A_228 = arith.addi %select_n3A, %while3A_227 : i32
      %mul3A_229 = arith.constant 256 : i32
      %mul3A_230 = arith.muli %add3A_228, %mul3A_229 : i32
      %add3A_231 = vector.broadcast %mul3A_230 : i32 to vector<2000x256xi32>
      %add3A_232 = arith.addi %add3A_231, %iota3A_217 : vector<2000x256xi32>
      %eq3A_233 = vector.broadcast %get3A_12 : vector<2000x1xi32> to vector<2000x256xi32>
      %eq3A_234 = arith.cmpi eq, %eq3A_233, %add3A_232 : vector<2000x256xi32>
      %convert_element_type3A_235 = arith.extui %eq3A_234 : vector<2000x256xi1> to vector<2000x256xi32>
      %convert_element_type3A_236 = arith.sitofp %convert_element_type3A_235 : vector<2000x256xi32> to vector<2000x256xf32>
      %dot_general3A = arith.constant dense<0.000000e+00> : vector<256x288xf32>
      %dot_general3A_237 = tpu.matmul %convert_element_type3A_236, %concatenate3A_163, %dot_general3A {dimension_numbers = #tpu.dot_dimension_numbers<[0], [0], [1], [1], [0, 1, 1, 1], [], []>, transpose_lhs_hint = false} : vector<2000x256xf32>, vector<2000x288xf32>, vector<256x288xf32> -> vector<256x288xf32>
      %get3A_238 = arith.index_cast %mul3A_230 : i32 to index
      %get3A_239 = arith.constant 0 : index
      %get3A_240 = vector.load %arg5[%get3A_238, %get3A_239] : memref<10496x288xf32, #tpu.memory_space<vmem>>, vector<256x288xf32>
      %add3A_241 = arith.addf %get3A_240, %dot_general3A_237 : vector<256x288xf32>
      %swap3A = arith.index_cast %mul3A_230 : i32 to index
      %swap3A_242 = arith.constant 0 : index
      %swap3A_243 = vector.load %arg5[%swap3A, %swap3A_242] : memref<10496x288xf32, #tpu.memory_space<vmem>>, vector<256x288xf32>
      tpu.vector_store %arg5[%swap3A, %swap3A_242], %add3A_241 {strides = array<i32>} : memref<10496x288xf32, #tpu.memory_space<vmem>>, vector<256x288xf32>,
    }
    return
  }
  func.func @transform_0(%arg0: i32) -> (i32, i32) {
    %c0_i32 = arith.constant 0 : i32
    %c0_i32_0 = arith.constant 0 : i32
    return %arg0, %c0_i32 : i32, i32
  }
  func.func @transform_1(%arg0: i32) -> (i32, i32) {
    %c0_i32 = arith.constant 0 : i32
    %c0_i32_0 = arith.constant 0 : i32
    return %arg0, %c0_i32 : i32, i32
  }
  func.func @transform_2(%arg0: i32) -> (i32, i32) {
    %c0_i32 = arith.constant 0 : i32
    %c0_i32_0 = arith.constant 0 : i32
    return %arg0, %c0_i32 : i32, i32
  }
  func.func @transform_3(%arg0: i32) -> (i32, i32) {
    %c0_i32 = arith.constant 0 : i32
    %c0_i32_0 = arith.constant 0 : i32
    return %arg0, %c0_i32 : i32, i32
  }
  func.func @transform_4(%arg0: i32) -> (i32, i32) {
    %c0_i32 = arith.constant 0 : i32
    %c0_i32_0 = arith.constant 0 : i32
    %c0_i32_1 = arith.constant 0 : i32
    return %c0_i32, %c0_i32_0 : i32, i32
  }
}

module attributes {stable_mosaic.version = 14 : i64} {
  func.func @_atom_kernel(%arg0: i32, %arg1: memref<256x288xf32, #tpu.memory_space<vmem>>, %arg2: memref<256x8xf32, #tpu.memory_space<vmem>>, %arg3: memref<256x128xf32, #tpu.memory_space<vmem>>, %arg4: memref<3072x512xf32, #tpu.memory_space<vmem>>, %arg5: memref<512x256xf32, #tpu.memory_space<vmem>>, %arg6: memref<256x1xf32, #tpu.memory_space<vmem>>, %arg7: memref<3072x1xf32, #tpu.memory_space<vmem>>, %arg8: memref<8x1xf32, #tpu.memory_space<vmem>>, %arg9: memref<8x128xf32, #tpu.memory_space<vmem>>) attributes {dimension_semantics = [#tpu.dimension_semantics<arbitrary>], iteration_bounds = array<i64: 41>, scalar_prefetch = 0 : i64, scratch_operands = 0 : i64, tpu.core_type = #tpu.core_type<tc>, window_params = [{transform_indices = @transform_0, window_bounds = array<i64: 256, 288>}, {transform_indices = @transform_1, window_bounds = array<i64: 256, 8>}, {transform_indices = @transform_2, window_bounds = array<i64: 256, 128>}, {pipeline_mode = #tpu.pipeline_mode<synchronous>, transform_indices = @transform_3, window_bounds = array<i64: 3072, 512>}, {pipeline_mode = #tpu.pipeline_mode<synchronous>, transform_indices = @transform_4, window_bounds = array<i64: 512, 256>}, {pipeline_mode = #tpu.pipeline_mode<synchronous>, transform_indices = @transform_5, window_bounds = array<i64: 256, 1>}, {pipeline_mode = #tpu.pipeline_mode<synchronous>, transform_indices = @transform_6, window_bounds = array<i64: 3072, 1>}, {pipeline_mode = #tpu.pipeline_mode<synchronous>, transform_indices = @transform_7, window_bounds = array<i64: 8, 1>}, {pipeline_mode = #tpu.pipeline_mode<synchronous>, transform_indices = @transform_8, window_bounds = array<i64: 8, 128>}]} {
    %eq3A = arith.constant 0 : i32
    %eq3A_0 = arith.cmpi eq, %arg0, %eq3A : i32
    %convert_element_type3A = arith.extui %eq3A_0 : i1 to i32
    %cond3A = arith.constant 0 : i32
    %cond3A_1 = arith.cmpi ne, %convert_element_type3A, %cond3A : i32
    scf.if %cond3A_1 {
      %broadcast_in_dim3A = arith.constant 0.000000e+00 : f32
      %broadcast_in_dim3A_174 = vector.broadcast %broadcast_in_dim3A : f32 to vector<8x128xf32>
      %swap3A_175 = arith.constant 0 : index
      %swap3A_176 = arith.constant 0 : index
      %swap3A_177 = vector.load %arg9[%swap3A_175, %swap3A_176] : memref<8x128xf32, #tpu.memory_space<vmem>>, vector<8x128xf32>
      tpu.vector_store %arg9[%swap3A_175, %swap3A_176], %broadcast_in_dim3A_174 {strides = array<i32>} : memref<8x128xf32, #tpu.memory_space<vmem>>, vector<8x128xf32>,
    } else {
    }
    %get3A = arith.constant 0 : index
    %get3A_2 = arith.constant 0 : index
    %get3A_3 = vector.load %arg1[%get3A, %get3A_2] : memref<256x288xf32, #tpu.memory_space<vmem>>, vector<256x288xf32>
    %iota3A = tpu.iota {dimensions = array<i32: 1>} : vector<32x1024xi32>
    %iota3A_4 = tpu.iota {dimensions = array<i32: 0>} : vector<32x1024xi32>
    %jit3A = arith.constant 32 : i32
    %div3A = vector.broadcast %jit3A : i32 to vector<32x1024xi32>
    %div3A_5 = arith.divsi %iota3A, %div3A : vector<32x1024xi32>
    %sign3A = arith.constant 0 : i32
    %sign3A_6 = vector.broadcast %sign3A : i32 to vector<32x1024xi32>
    %sign3A_7 = arith.cmpi sgt, %iota3A, %sign3A_6 : vector<32x1024xi32>
    %sign3A_8 = arith.extui %sign3A_7 : vector<32x1024xi1> to vector<32x1024xi32>
    %sign3A_9 = arith.constant 0 : i32
    %sign3A_10 = vector.broadcast %sign3A_9 : i32 to vector<32x1024xi32>
    %sign3A_11 = arith.cmpi slt, %iota3A, %sign3A_10 : vector<32x1024xi32>
    %sign3A_12 = arith.extui %sign3A_11 : vector<32x1024xi1> to vector<32x1024xi32>
    %sign3A_13 = arith.subi %sign3A_8, %sign3A_12 : vector<32x1024xi32>
    %sign3A_14 = arith.constant 0 : i32
    %sign3A_15 = arith.cmpi sgt, %jit3A, %sign3A_14 : i32
    %sign3A_16 = arith.extui %sign3A_15 : i1 to i32
    %sign3A_17 = arith.constant 0 : i32
    %sign3A_18 = arith.cmpi slt, %jit3A, %sign3A_17 : i32
    %sign3A_19 = arith.extui %sign3A_18 : i1 to i32
    %sign3A_20 = arith.subi %sign3A_16, %sign3A_19 : i32
    %ne3A = vector.broadcast %sign3A_20 : i32 to vector<32x1024xi32>
    %ne3A_21 = arith.cmpi ne, %sign3A_13, %ne3A : vector<32x1024xi32>
    %rem3A = vector.broadcast %jit3A : i32 to vector<32x1024xi32>
    %rem3A_22 = arith.remsi %iota3A, %rem3A : vector<32x1024xi32>
    %ne3A_23 = arith.constant 0 : i32
    %ne3A_24 = vector.broadcast %ne3A_23 : i32 to vector<32x1024xi32>
    %ne3A_25 = arith.cmpi ne, %rem3A_22, %ne3A_24 : vector<32x1024xi32>
    %and3A = arith.andi %ne3A_21, %ne3A_25 : vector<32x1024xi1>
    %sub3A = arith.constant 1 : i32
    %sub3A_26 = vector.broadcast %sub3A : i32 to vector<32x1024xi32>
    %sub3A_27 = arith.subi %div3A_5, %sub3A_26 : vector<32x1024xi32>
    %select_n3A = arith.select %and3A, %sub3A_27, %div3A_5 : vector<32x1024xi1>, vector<32x1024xi32>
    %eq3A_28 = arith.cmpi eq, %select_n3A, %iota3A_4 : vector<32x1024xi32>
    %convert_element_type3A_29 = arith.extui %eq3A_28 : vector<32x1024xi1> to vector<32x1024xi32>
    %convert_element_type3A_30 = arith.sitofp %convert_element_type3A_29 : vector<32x1024xi32> to vector<32x1024xf32>
    %jit3A_31 = arith.constant 32 : i32
    %eq3A_32 = arith.constant 0 : i32
    %eq3A_33 = arith.cmpi eq, %jit3A_31, %eq3A_32 : i32
    %jit3A_34 = arith.constant 1 : i32
    %select_n3A_35 = arith.select %eq3A_33, %jit3A_34, %jit3A_31 : i32
    %rem3A_36 = vector.broadcast %select_n3A_35 : i32 to vector<32x1024xi32>
    %rem3A_37 = arith.remsi %iota3A, %rem3A_36 : vector<32x1024xi32>
    %ne3A_38 = arith.constant 0 : i32
    %ne3A_39 = vector.broadcast %ne3A_38 : i32 to vector<32x1024xi32>
    %ne3A_40 = arith.cmpi ne, %rem3A_37, %ne3A_39 : vector<32x1024xi32>
    %lt3A = arith.constant 0 : i32
    %lt3A_41 = vector.broadcast %lt3A : i32 to vector<32x1024xi32>
    %lt3A_42 = arith.cmpi slt, %rem3A_37, %lt3A_41 : vector<32x1024xi32>
    %lt3A_43 = arith.constant 0 : i32
    %lt3A_44 = arith.cmpi slt, %select_n3A_35, %lt3A_43 : i32
    %ne3A_45 = vector.broadcast %lt3A_44 : i1 to vector<32x1024xi1>
    %ne3A_46 = vector.broadcast %ne3A_45 : vector<32x1024xi1> to vector<32x1024xi1>
    %ne3A_47 = arith.xori %lt3A_42, %ne3A_46 : vector<32x1024xi1>
    %and3A_48 = arith.andi %ne3A_47, %ne3A_40 : vector<32x1024xi1>
    %add3A = vector.broadcast %select_n3A_35 : i32 to vector<32x1024xi32>
    %add3A_49 = arith.addi %rem3A_37, %add3A : vector<32x1024xi32>
    %select_n3A_50 = arith.select %and3A_48, %add3A_49, %rem3A_37 : vector<32x1024xi1>, vector<32x1024xi32>
    %eq3A_51 = arith.cmpi eq, %select_n3A_50, %iota3A_4 : vector<32x1024xi32>
    %convert_element_type3A_52 = arith.extui %eq3A_51 : vector<32x1024xi1> to vector<32x1024xi32>
    %convert_element_type3A_53 = arith.sitofp %convert_element_type3A_52 : vector<32x1024xi32> to vector<32x1024xf32>
    %slice3A = vector.extract_strided_slice %get3A_3 {offsets = [0, 0], sizes = [256, 32], strides = [1, 1]} : vector<256x288xf32> to vector<256x32xf32>
    %dot_general3A = arith.constant dense<0.000000e+00> : vector<256x1024xf32>
    %dot_general3A_54 = tpu.matmul %slice3A, %convert_element_type3A_30, %dot_general3A {dimension_numbers = #tpu.dot_dimension_numbers<[1], [0], [0], [1], [0, 0, 1, 1], [], []>, transpose_lhs_hint = false} : vector<256x32xf32>, vector<32x1024xf32>, vector<256x1024xf32> -> vector<256x1024xf32>
    %dot_general3A_55 = arith.constant dense<0.000000e+00> : vector<256x1024xf32>
    %dot_general3A_56 = tpu.matmul %slice3A, %convert_element_type3A_53, %dot_general3A_55 {dimension_numbers = #tpu.dot_dimension_numbers<[1], [0], [0], [1], [0, 0, 1, 1], [], []>, transpose_lhs_hint = false} : vector<256x32xf32>, vector<32x1024xf32>, vector<256x1024xf32> -> vector<256x1024xf32>
    %mul3A = arith.mulf %dot_general3A_54, %dot_general3A_56 : vector<256x1024xf32>
    %mul3A_57 = arith.constant 1.000000e+00 : f32
    %mul3A_58 = vector.broadcast %mul3A_57 : f32 to vector<256x1024xf32>
    %mul3A_59 = arith.mulf %mul3A, %mul3A_58 : vector<256x1024xf32>
    %slice3A_60 = vector.extract_strided_slice %get3A_3 {offsets = [0, 32], sizes = [256, 32], strides = [1, 1]} : vector<256x288xf32> to vector<256x32xf32>
    %dot_general3A_61 = arith.constant dense<0.000000e+00> : vector<256x1024xf32>
    %dot_general3A_62 = tpu.matmul %slice3A_60, %convert_element_type3A_30, %dot_general3A_61 {dimension_numbers = #tpu.dot_dimension_numbers<[1], [0], [0], [1], [0, 0, 1, 1], [], []>, transpose_lhs_hint = false} : vector<256x32xf32>, vector<32x1024xf32>, vector<256x1024xf32> -> vector<256x1024xf32>
    %dot_general3A_63 = arith.constant dense<0.000000e+00> : vector<256x1024xf32>
    %dot_general3A_64 = tpu.matmul %slice3A_60, %convert_element_type3A_53, %dot_general3A_63 {dimension_numbers = #tpu.dot_dimension_numbers<[1], [0], [0], [1], [0, 0, 1, 1], [], []>, transpose_lhs_hint = false} : vector<256x32xf32>, vector<32x1024xf32>, vector<256x1024xf32> -> vector<256x1024xf32>
    %mul3A_65 = arith.mulf %dot_general3A_62, %dot_general3A_64 : vector<256x1024xf32>
    %slice3A_66 = vector.extract_strided_slice %get3A_3 {offsets = [0, 64], sizes = [256, 32], strides = [1, 1]} : vector<256x288xf32> to vector<256x32xf32>
    %dot_general3A_67 = arith.constant dense<0.000000e+00> : vector<256x1024xf32>
    %dot_general3A_68 = tpu.matmul %slice3A_66, %convert_element_type3A_30, %dot_general3A_67 {dimension_numbers = #tpu.dot_dimension_numbers<[1], [0], [0], [1], [0, 0, 1, 1], [], []>, transpose_lhs_hint = false} : vector<256x32xf32>, vector<32x1024xf32>, vector<256x1024xf32> -> vector<256x1024xf32>
    %dot_general3A_69 = arith.constant dense<0.000000e+00> : vector<256x1024xf32>
    %dot_general3A_70 = tpu.matmul %slice3A_66, %convert_element_type3A_53, %dot_general3A_69 {dimension_numbers = #tpu.dot_dimension_numbers<[1], [0], [0], [1], [0, 0, 1, 1], [], []>, transpose_lhs_hint = false} : vector<256x32xf32>, vector<32x1024xf32>, vector<256x1024xf32> -> vector<256x1024xf32>
    %mul3A_71 = arith.mulf %dot_general3A_68, %dot_general3A_70 : vector<256x1024xf32>
    %add3A_72 = arith.addf %mul3A_65, %mul3A_71 : vector<256x1024xf32>
    %slice3A_73 = vector.extract_strided_slice %get3A_3 {offsets = [0, 96], sizes = [256, 32], strides = [1, 1]} : vector<256x288xf32> to vector<256x32xf32>
    %dot_general3A_74 = arith.constant dense<0.000000e+00> : vector<256x1024xf32>
    %dot_general3A_75 = tpu.matmul %slice3A_73, %convert_element_type3A_30, %dot_general3A_74 {dimension_numbers = #tpu.dot_dimension_numbers<[1], [0], [0], [1], [0, 0, 1, 1], [], []>, transpose_lhs_hint = false} : vector<256x32xf32>, vector<32x1024xf32>, vector<256x1024xf32> -> vector<256x1024xf32>
    %dot_general3A_76 = arith.constant dense<0.000000e+00> : vector<256x1024xf32>
    %dot_general3A_77 = tpu.matmul %slice3A_73, %convert_element_type3A_53, %dot_general3A_76 {dimension_numbers = #tpu.dot_dimension_numbers<[1], [0], [0], [1], [0, 0, 1, 1], [], []>, transpose_lhs_hint = false} : vector<256x32xf32>, vector<32x1024xf32>, vector<256x1024xf32> -> vector<256x1024xf32>
    %mul3A_78 = arith.mulf %dot_general3A_75, %dot_general3A_77 : vector<256x1024xf32>
    %add3A_79 = arith.addf %add3A_72, %mul3A_78 : vector<256x1024xf32>
    %mul3A_80 = arith.constant 0.577350259 : f32
    %mul3A_81 = vector.broadcast %mul3A_80 : f32 to vector<256x1024xf32>
    %mul3A_82 = arith.mulf %add3A_79, %mul3A_81 : vector<256x1024xf32>
    %slice3A_83 = vector.extract_strided_slice %get3A_3 {offsets = [0, 128], sizes = [256, 32], strides = [1, 1]} : vector<256x288xf32> to vector<256x32xf32>
    %dot_general3A_84 = arith.constant dense<0.000000e+00> : vector<256x1024xf32>
    %dot_general3A_85 = tpu.matmul %slice3A_83, %convert_element_type3A_30, %dot_general3A_84 {dimension_numbers = #tpu.dot_dimension_numbers<[1], [0], [0], [1], [0, 0, 1, 1], [], []>, transpose_lhs_hint = false} : vector<256x32xf32>, vector<32x1024xf32>, vector<256x1024xf32> -> vector<256x1024xf32>
    %dot_general3A_86 = arith.constant dense<0.000000e+00> : vector<256x1024xf32>
    %dot_general3A_87 = tpu.matmul %slice3A_83, %convert_element_type3A_53, %dot_general3A_86 {dimension_numbers = #tpu.dot_dimension_numbers<[1], [0], [0], [1], [0, 0, 1, 1], [], []>, transpose_lhs_hint = false} : vector<256x32xf32>, vector<32x1024xf32>, vector<256x1024xf32> -> vector<256x1024xf32>
    %mul3A_88 = arith.mulf %dot_general3A_85, %dot_general3A_87 : vector<256x1024xf32>
    %slice3A_89 = vector.extract_strided_slice %get3A_3 {offsets = [0, 160], sizes = [256, 32], strides = [1, 1]} : vector<256x288xf32> to vector<256x32xf32>
    %dot_general3A_90 = arith.constant dense<0.000000e+00> : vector<256x1024xf32>
    %dot_general3A_91 = tpu.matmul %slice3A_89, %convert_element_type3A_30, %dot_general3A_90 {dimension_numbers = #tpu.dot_dimension_numbers<[1], [0], [0], [1], [0, 0, 1, 1], [], []>, transpose_lhs_hint = false} : vector<256x32xf32>, vector<32x1024xf32>, vector<256x1024xf32> -> vector<256x1024xf32>
    %dot_general3A_92 = arith.constant dense<0.000000e+00> : vector<256x1024xf32>
    %dot_general3A_93 = tpu.matmul %slice3A_89, %convert_element_type3A_53, %dot_general3A_92 {dimension_numbers = #tpu.dot_dimension_numbers<[1], [0], [0], [1], [0, 0, 1, 1], [], []>, transpose_lhs_hint = false} : vector<256x32xf32>, vector<32x1024xf32>, vector<256x1024xf32> -> vector<256x1024xf32>
    %mul3A_94 = arith.mulf %dot_general3A_91, %dot_general3A_93 : vector<256x1024xf32>
    %add3A_95 = arith.addf %mul3A_88, %mul3A_94 : vector<256x1024xf32>
    %slice3A_96 = vector.extract_strided_slice %get3A_3 {offsets = [0, 192], sizes = [256, 32], strides = [1, 1]} : vector<256x288xf32> to vector<256x32xf32>
    %dot_general3A_97 = arith.constant dense<0.000000e+00> : vector<256x1024xf32>
    %dot_general3A_98 = tpu.matmul %slice3A_96, %convert_element_type3A_30, %dot_general3A_97 {dimension_numbers = #tpu.dot_dimension_numbers<[1], [0], [0], [1], [0, 0, 1, 1], [], []>, transpose_lhs_hint = false} : vector<256x32xf32>, vector<32x1024xf32>, vector<256x1024xf32> -> vector<256x1024xf32>
    %dot_general3A_99 = arith.constant dense<0.000000e+00> : vector<256x1024xf32>
    %dot_general3A_100 = tpu.matmul %slice3A_96, %convert_element_type3A_53, %dot_general3A_99 {dimension_numbers = #tpu.dot_dimension_numbers<[1], [0], [0], [1], [0, 0, 1, 1], [], []>, transpose_lhs_hint = false} : vector<256x32xf32>, vector<32x1024xf32>, vector<256x1024xf32> -> vector<256x1024xf32>
    %mul3A_101 = arith.mulf %dot_general3A_98, %dot_general3A_100 : vector<256x1024xf32>
    %add3A_102 = arith.addf %add3A_95, %mul3A_101 : vector<256x1024xf32>
    %slice3A_103 = vector.extract_strided_slice %get3A_3 {offsets = [0, 224], sizes = [256, 32], strides = [1, 1]} : vector<256x288xf32> to vector<256x32xf32>
    %dot_general3A_104 = arith.constant dense<0.000000e+00> : vector<256x1024xf32>
    %dot_general3A_105 = tpu.matmul %slice3A_103, %convert_element_type3A_30, %dot_general3A_104 {dimension_numbers = #tpu.dot_dimension_numbers<[1], [0], [0], [1], [0, 0, 1, 1], [], []>, transpose_lhs_hint = false} : vector<256x32xf32>, vector<32x1024xf32>, vector<256x1024xf32> -> vector<256x1024xf32>
    %dot_general3A_106 = arith.constant dense<0.000000e+00> : vector<256x1024xf32>
    %dot_general3A_107 = tpu.matmul %slice3A_103, %convert_element_type3A_53, %dot_general3A_106 {dimension_numbers = #tpu.dot_dimension_numbers<[1], [0], [0], [1], [0, 0, 1, 1], [], []>, transpose_lhs_hint = false} : vector<256x32xf32>, vector<32x1024xf32>, vector<256x1024xf32> -> vector<256x1024xf32>
    %mul3A_108 = arith.mulf %dot_general3A_105, %dot_general3A_107 : vector<256x1024xf32>
    %add3A_109 = arith.addf %add3A_102, %mul3A_108 : vector<256x1024xf32>
    %slice3A_110 = vector.extract_strided_slice %get3A_3 {offsets = [0, 256], sizes = [256, 32], strides = [1, 1]} : vector<256x288xf32> to vector<256x32xf32>
    %dot_general3A_111 = arith.constant dense<0.000000e+00> : vector<256x1024xf32>
    %dot_general3A_112 = tpu.matmul %slice3A_110, %convert_element_type3A_30, %dot_general3A_111 {dimension_numbers = #tpu.dot_dimension_numbers<[1], [0], [0], [1], [0, 0, 1, 1], [], []>, transpose_lhs_hint = false} : vector<256x32xf32>, vector<32x1024xf32>, vector<256x1024xf32> -> vector<256x1024xf32>
    %dot_general3A_113 = arith.constant dense<0.000000e+00> : vector<256x1024xf32>
    %dot_general3A_114 = tpu.matmul %slice3A_110, %convert_element_type3A_53, %dot_general3A_113 {dimension_numbers = #tpu.dot_dimension_numbers<[1], [0], [0], [1], [0, 0, 1, 1], [], []>, transpose_lhs_hint = false} : vector<256x32xf32>, vector<32x1024xf32>, vector<256x1024xf32> -> vector<256x1024xf32>
    %mul3A_115 = arith.mulf %dot_general3A_112, %dot_general3A_114 : vector<256x1024xf32>
    %add3A_116 = arith.addf %add3A_109, %mul3A_115 : vector<256x1024xf32>
    %mul3A_117 = arith.constant 0.44721359 : f32
    %mul3A_118 = vector.broadcast %mul3A_117 : f32 to vector<256x1024xf32>
    %mul3A_119 = arith.mulf %add3A_116, %mul3A_118 : vector<256x1024xf32>
    %concatenate3A = tpu.concatenate %mul3A_59, %mul3A_82, %mul3A_119 in 1 : vector<256x1024xf32>, vector<256x1024xf32>, vector<256x1024xf32> -> vector<256x3072xf32>
    %get3A_120 = arith.constant 0 : index
    %get3A_121 = arith.constant 0 : index
    %get3A_122 = vector.load %arg4[%get3A_120, %get3A_121] : memref<3072x512xf32, #tpu.memory_space<vmem>>, vector<3072x512xf32>
    %dot_general3A_123 = arith.constant dense<0.000000e+00> : vector<256x512xf32>
    %dot_general3A_124 = tpu.matmul %concatenate3A, %get3A_122, %dot_general3A_123 {dimension_numbers = #tpu.dot_dimension_numbers<[1], [0], [0], [1], [0, 0, 1, 1], [], []>, transpose_lhs_hint = false} : vector<256x3072xf32>, vector<3072x512xf32>, vector<256x512xf32> -> vector<256x512xf32>
    %logistic3A = arith.negf %dot_general3A_124 : vector<256x512xf32>
    %logistic3A_125 = math.exp %logistic3A : vector<256x512xf32>
    %logistic3A_126 = arith.constant 1.000000e+00 : f32
    %logistic3A_127 = vector.broadcast %logistic3A_126 : f32 to vector<256x512xf32>
    %logistic3A_128 = arith.addf %logistic3A_127, %logistic3A_125 : vector<256x512xf32>
    %logistic3A_129 = arith.divf %logistic3A_127, %logistic3A_128 : vector<256x512xf32>
    %mul3A_130 = arith.mulf %dot_general3A_124, %logistic3A_129 : vector<256x512xf32>
    %get3A_131 = arith.constant 0 : index
    %get3A_132 = arith.constant 0 : index
    %get3A_133 = vector.load %arg5[%get3A_131, %get3A_132] : memref<512x256xf32, #tpu.memory_space<vmem>>, vector<512x256xf32>
    %dot_general3A_134 = arith.constant dense<0.000000e+00> : vector<256x256xf32>
    %dot_general3A_135 = tpu.matmul %mul3A_130, %get3A_133, %dot_general3A_134 {dimension_numbers = #tpu.dot_dimension_numbers<[1], [0], [0], [1], [0, 0, 1, 1], [], []>, transpose_lhs_hint = false} : vector<256x512xf32>, vector<512x256xf32>, vector<256x256xf32> -> vector<256x256xf32>
    %logistic3A_136 = arith.negf %dot_general3A_135 : vector<256x256xf32>
    %logistic3A_137 = math.exp %logistic3A_136 : vector<256x256xf32>
    %logistic3A_138 = arith.constant 1.000000e+00 : f32
    %logistic3A_139 = vector.broadcast %logistic3A_138 : f32 to vector<256x256xf32>
    %logistic3A_140 = arith.addf %logistic3A_139, %logistic3A_137 : vector<256x256xf32>
    %logistic3A_141 = arith.divf %logistic3A_139, %logistic3A_140 : vector<256x256xf32>
    %mul3A_142 = arith.mulf %dot_general3A_135, %logistic3A_141 : vector<256x256xf32>
    %get3A_143 = arith.constant 0 : index
    %get3A_144 = arith.constant 0 : index
    %get3A_145 = vector.load %arg6[%get3A_143, %get3A_144] : memref<256x1xf32, #tpu.memory_space<vmem>>, vector<256x1xf32>
    %dot_general3A_146 = arith.constant dense<0.000000e+00> : vector<256x1xf32>
    %dot_general3A_147 = tpu.matmul %mul3A_142, %get3A_145, %dot_general3A_146 {dimension_numbers = #tpu.dot_dimension_numbers<[1], [0], [0], [1], [0, 0, 1, 1], [], []>, transpose_lhs_hint = false} : vector<256x256xf32>, vector<256x1xf32>, vector<256x1xf32> -> vector<256x1xf32>
    %get3A_148 = arith.constant 0 : index
    %get3A_149 = arith.constant 0 : index
    %get3A_150 = vector.load %arg7[%get3A_148, %get3A_149] : memref<3072x1xf32, #tpu.memory_space<vmem>>, vector<3072x1xf32>
    %dot_general3A_151 = arith.constant dense<0.000000e+00> : vector<256x1xf32>
    %dot_general3A_152 = tpu.matmul %concatenate3A, %get3A_150, %dot_general3A_151 {dimension_numbers = #tpu.dot_dimension_numbers<[1], [0], [0], [1], [0, 0, 1, 1], [], []>, transpose_lhs_hint = false} : vector<256x3072xf32>, vector<3072x1xf32>, vector<256x1xf32> -> vector<256x1xf32>
    %get3A_153 = arith.constant 0 : index
    %get3A_154 = arith.constant 0 : index
    %get3A_155 = vector.load %arg2[%get3A_153, %get3A_154] : memref<256x8xf32, #tpu.memory_space<vmem>>, vector<256x8xf32>
    %get3A_156 = arith.constant 0 : index
    %get3A_157 = arith.constant 0 : index
    %get3A_158 = vector.load %arg8[%get3A_156, %get3A_157] : memref<8x1xf32, #tpu.memory_space<vmem>>, vector<8x1xf32>
    %dot_general3A_159 = arith.constant dense<0.000000e+00> : vector<256x1xf32>
    %dot_general3A_160 = tpu.matmul %get3A_155, %get3A_158, %dot_general3A_159 {dimension_numbers = #tpu.dot_dimension_numbers<[1], [0], [0], [1], [0, 0, 1, 1], [], []>, transpose_lhs_hint = false} : vector<256x8xf32>, vector<8x1xf32>, vector<256x1xf32> -> vector<256x1xf32>
    %add3A_161 = arith.addf %dot_general3A_147, %dot_general3A_152 : vector<256x1xf32>
    %add3A_162 = arith.addf %add3A_161, %dot_general3A_160 : vector<256x1xf32>
    %get3A_163 = arith.constant 0 : index
    %get3A_164 = arith.constant 0 : index
    %get3A_165 = vector.load %arg3[%get3A_163, %get3A_164] : memref<256x128xf32, #tpu.memory_space<vmem>>, vector<256x128xf32>
    %dot_general3A_166 = arith.constant dense<0.000000e+00> : vector<1x128xf32>
    %dot_general3A_167 = tpu.matmul %add3A_162, %get3A_165, %dot_general3A_166 {dimension_numbers = #tpu.dot_dimension_numbers<[0], [0], [1], [1], [0, 1, 1, 1], [], []>, transpose_lhs_hint = false} : vector<256x1xf32>, vector<256x128xf32>, vector<1x128xf32> -> vector<1x128xf32>
    %get3A_168 = arith.constant 0 : index
    %get3A_169 = arith.constant 0 : index
    %get3A_170 = vector.load %arg9[%get3A_168, %get3A_169] : memref<8x128xf32, #tpu.memory_space<vmem>>, vector<1x128xf32>
    %add3A_171 = arith.addf %get3A_170, %dot_general3A_167 : vector<1x128xf32>
    %swap3A = arith.constant 0 : index
    %swap3A_172 = arith.constant 0 : index
    %swap3A_173 = vector.load %arg9[%swap3A, %swap3A_172] : memref<8x128xf32, #tpu.memory_space<vmem>>, vector<1x128xf32>
    tpu.vector_store %arg9[%swap3A, %swap3A_172], %add3A_171 {strides = array<i32>} : memref<8x128xf32, #tpu.memory_space<vmem>>, vector<1x128xf32>,
    return
  }
  func.func @transform_0(%arg0: i32) -> (i32, i32) {
    %c0_i32 = arith.constant 0 : i32
    %c0_i32_0 = arith.constant 0 : i32
    return %arg0, %c0_i32 : i32, i32
  }
  func.func @transform_1(%arg0: i32) -> (i32, i32) {
    %c0_i32 = arith.constant 0 : i32
    %c0_i32_0 = arith.constant 0 : i32
    return %arg0, %c0_i32 : i32, i32
  }
  func.func @transform_2(%arg0: i32) -> (i32, i32) {
    %c0_i32 = arith.constant 0 : i32
    %c0_i32_0 = arith.constant 0 : i32
    return %arg0, %c0_i32 : i32, i32
  }
  func.func @transform_3(%arg0: i32) -> (i32, i32) {
    %c0_i32 = arith.constant 0 : i32
    %c0_i32_0 = arith.constant 0 : i32
    %c0_i32_1 = arith.constant 0 : i32
    return %c0_i32, %c0_i32_0 : i32, i32
  }
  func.func @transform_4(%arg0: i32) -> (i32, i32) {
    %c0_i32 = arith.constant 0 : i32
    %c0_i32_0 = arith.constant 0 : i32
    %c0_i32_1 = arith.constant 0 : i32
    return %c0_i32, %c0_i32_0 : i32, i32
  }
  func.func @transform_5(%arg0: i32) -> (i32, i32) {
    %c0_i32 = arith.constant 0 : i32
    %c0_i32_0 = arith.constant 0 : i32
    %c0_i32_1 = arith.constant 0 : i32
    return %c0_i32, %c0_i32_0 : i32, i32
  }
  func.func @transform_6(%arg0: i32) -> (i32, i32) {
    %c0_i32 = arith.constant 0 : i32
    %c0_i32_0 = arith.constant 0 : i32
    %c0_i32_1 = arith.constant 0 : i32
    return %c0_i32, %c0_i32_0 : i32, i32
  }
  func.func @transform_7(%arg0: i32) -> (i32, i32) {
    %c0_i32 = arith.constant 0 : i32
    %c0_i32_0 = arith.constant 0 : i32
    %c0_i32_1 = arith.constant 0 : i32
    return %c0_i32, %c0_i32_0 : i32, i32
  }
  func.func @transform_8(%arg0: i32) -> (i32, i32) {
    %c0_i32 = arith.constant 0 : i32
    %c0_i32_0 = arith.constant 0 : i32
    %c0_i32_1 = arith.constant 0 : i32
    return %c0_i32, %c0_i32_0 : i32, i32
  }
}

</mosaic_0001>

<sc_bundles>
// kernel: gather_offload_async_start
scs
__scs_entry_jumppad:
0x0: {  	(pc) =	sbr.rel $0x88, $3  }
0x1: {  	(tag) =	ssettag $0x0;
	lr =	simm.s32 $0x1  }
0x2: {  	[smem:$0x3F95] =	sst lr;
	_ =	strace $0xD0000000  }
0x3: {  	_ = 	snop  }
0x4: {  	_ = 	snop  }
0x5: {  	_ = 	snop  }
0x6: {  	_ = 	snop  }
0x7: {  	_ = 	snop  }
__scs_overlays_trampoline_lowered:
0x8: {  	[smem:$0x3FA4] =	sst s0  }
0x9: {  	[smem:$0x3FA5] =	sst s1  }
0xa: {  	[smem:$0x3FA6] =	sst s2  }
0xb: {  	[smem:$0x3FA7] =	sst s3  }
0xc: {  	[smem:$0x3FA8] =	sst s4  }
0xd: {  	[smem:$0x3FA9] =	sst s5  }
0xe: {  	[smem:$0x3FAA] =	sst s6  }
0xf: {  	[smem:$0x3FAB] =	sst s7  }
0x10: {  	[smem:$0x3FAC] =	sst s8  }
0x11: {  	[smem:$0x3FAD] =	sst s9;
	s0 =	simm.s32 @!p0 $0x0  }
0x12: {  	s1 =	sld [smem:$0x3F93];
	s0 =	simm.s32 @p0 $0x1  }
0x13: {  	[smem:$0x3FAE] =	sst s0;
	s0 =	simm.s32 @!p1 $0x0  }
0x14: {  	s2 =	sld [smem:$0x3F92];
	s0 =	simm.s32 @p1 $0x1  }
0x15: {  	[smem:$0x3FAF] =	sst s0;
	s0 =	simm.s32 @!p2 $0x0  }
0x16: {  	s3 =	sld [smem:$0x3FDB];
	s0 =	simm.s32 @p2 $0x1  }
0x17: {  	s4 =	simm.s32 $0x1BF5;
	[smem:$0x3FB1] =	sst s0  }
0x18: {  	s0 =	sld [smem:$0x3F94];
	_ =	swait.ge [sflag:s4], $0x0  }
0x19: {  	s7 =	sld [smem:$0x3F95]  }
0x1a: {  	s8 =	sadd.s32 $0xFFFFE003, lr  }
0x1b: {  	s9 =	sadd.s32 $0xFFFFFEF7, lr;
	s5 =	simm.s32 $0xFFFFFFFF;
	p2 =	slt.u32 s8, $0xFFFFF086  }
0x1c: {  	p1 =	slt.u32 s9, $0xF7A;
	s5 =	simm.s32 @!p2 $0x0  }
0x1d: {  	s5 =	simm.s32 @p1 $0x1;
	p0 =	seq.s32 s7, s2  }
0x1e: {  	s7 =	smul.u32 @!p0 $0xF7A, s2;
	p2 =	seq.s32 @!p0 s5, $0x0  }
0x1f: {  	s9 =	smul.u32 $0xF7A, s1;
	s8 =	simm.s32 @!p0 $0x1BF5;
	p2 =	por !p2, p0  }
0x20: {  	[sflag:s8] =	ssyncset.s32 @!p0 $0xFFFFF086;
	s6 =	sadd.s32 @!p0 s3, s7;
	s7 =	simm.s32 @!p0 $0x108  }
0x21: {  	s3 =	sadd.s32 s3, s9;
	s6 =	sadd.s32 @!p0 $0x88, s6;
	s7 =	simm.s32 @p2 $0x1082  }
0x22: {  	[simem:s7], [sflag:s8] =	dma.local @!p0 [hbm:s6], $0xF7A  }
0x23: {  	s9 =	sor.u32 $0xD0000000, s2;
	s6 =	simm.s32 $0x108;
	_ =	swait.ge @!p0 [sflag:s8], $0x0  }
0x24: {  	s3 =	sadd.s32 $0x88, s3;
	s6 =	simm.s32 @!p1 $0x1082;
	[sflag:s4] =	ssyncset.s32 $0xFFFFF086  }
0x25: {  	[simem:s6], [sflag:s4] =	dma.local [hbm:s3], $0xF7A  }
0x26: {  	[smem:$0x3F95] =	sst s1;
	(tag) =	ssettag s2;
	_ =	strace s9  }
0x27: {  	s1 =	sld [smem:$0x3FA5]  }
0x28: {  	s2 =	sld [smem:$0x3FA6]  }
0x29: {  	s4 =	sld [smem:$0x3FA8]  }
0x2a: {  	p0 =	seq.s32 s5, $0x0;
	s5 =	sld [smem:$0x3FA9]  }
0x2b: {  	s6 =	sld [smem:$0x3FAA]  }
0x2c: {  	s7 =	sld [smem:$0x3FAB]  }
0x2d: {  	s3 =	simm.s32 $0x108;
	s8 =	sld [smem:$0x3FAC]  }
0x2e: {  	s3 =	simm.s32 @!p0 $0x1082;
	s9 =	sld [smem:$0x3FAD]  }
0x2f: {  	lr =	sadd.s32 s0, s3;
	s0 =	sld [smem:$0x3FA4]  }
0x30: {  	s3 =	sld [smem:$0x3FA7]  }
0x31: {  	[smem:$0x3FB0] =	sst s10  }
0x32: {  	s10 =	sld [smem:$0x3FAE];
	_ =	sdelay $0x3  }
0x33: {  	p0 =	seq.s32 s10, $0x1;
	s10 =	sld [smem:$0x3FB0];
	_ =	sdelay $0x3  }
0x34: {  	[smem:$0x3FB0] =	sst s10  }
0x35: {  	s10 =	sld [smem:$0x3FAF];
	_ =	sdelay $0x3  }
0x36: {  	p1 =	seq.s32 s10, $0x1;
	s10 =	sld [smem:$0x3FB0];
	_ =	sdelay $0x3  }
0x37: {  	[smem:$0x3FB0] =	sst s10  }
0x38: {  	s10 =	sld [smem:$0x3FB1]  }
0x39: {  	_ = 	snop;
	(pc) =	sbr.ind lr, $3  }
0x3a: {  	_ = 	snop  }
0x3b: {  	_ = 	snop  }
0x3c: {  	p2 =	seq.s32 s10, $0x1;
	s10 =	sld [smem:$0x3FB0]  }
0x3d: {  	_ =	shalt  }
0x3e: {  	_ =	shalt  }
0x3f: {  	_ =	shalt  }
0x40: {  	_ =	shalt  }
0x41: {  	_ =	shalt  }
0x42: {  	_ =	shalt  }
0x43: {  	_ =	shalt  }
0x44: {  	_ =	shalt  }
0x45: {  	_ =	shalt  }
0x46: {  	_ =	shalt  }
0x47: {  	_ =	shalt  }
0x48: {  	_ =	shalt  }
0x49: {  	_ =	shalt  }
0x4a: {  	_ =	shalt  }
0x4b: {  	_ =	shalt  }
0x4c: {  	_ =	shalt  }
0x4d: {  	_ =	shalt  }
0x4e: {  	_ =	shalt  }
0x4f: {  	_ =	shalt  }
0x50: {  	_ =	shalt  }
0x51: {  	_ =	shalt  }
0x52: {  	_ =	shalt  }
0x53: {  	_ =	shalt  }
0x54: {  	_ =	shalt  }
0x55: {  	_ =	shalt  }
0x56: {  	_ =	shalt  }
0x57: {  	_ =	shalt  }
0x58: {  	_ =	shalt  }
0x59: {  	_ =	shalt  }
0x5a: {  	_ =	shalt  }
0x5b: {  	_ =	shalt  }
0x5c: {  	_ =	shalt  }
0x5d: {  	_ =	shalt  }
0x5e: {  	_ =	shalt  }
0x5f: {  	_ =	shalt  }
0x60: {  	_ =	shalt  }
0x61: {  	_ =	shalt  }
0x62: {  	_ =	shalt  }
0x63: {  	_ =	shalt  }
0x64: {  	_ =	shalt  }
0x65: {  	_ =	shalt  }
0x66: {  	_ =	shalt  }
0x67: {  	_ =	shalt  }
0x68: {  	_ =	shalt  }
0x69: {  	_ =	shalt  }
0x6a: {  	_ =	shalt  }
0x6b: {  	_ =	shalt  }
0x6c: {  	_ =	shalt  }
0x6d: {  	_ =	shalt  }
0x6e: {  	_ =	shalt  }
0x6f: {  	_ =	shalt  }
0x70: {  	_ =	shalt  }
0x71: {  	_ =	shalt  }
0x72: {  	_ =	shalt  }
0x73: {  	_ =	shalt  }
0x74: {  	_ =	shalt  }
0x75: {  	_ =	shalt  }
0x76: {  	_ =	shalt  }
0x77: {  	_ =	shalt  }
0x78: {  	_ =	shalt  }
0x79: {  	_ =	shalt  }
0x7a: {  	_ =	shalt  }
0x7b: {  	_ =	shalt  }
0x7c: {  	_ =	shalt  }
0x7d: {  	_ =	shalt  }
0x7e: {  	_ =	shalt  }
0x7f: {  	_ =	shalt  }
0x80: {  	_ =	shalt  }
0x81: {  	_ =	shalt  }
0x82: {  	_ =	shalt  }
0x83: {  	_ =	shalt  }
0x84: {  	_ =	shalt  }
0x85: {  	_ =	shalt  }
0x86: {  	_ =	shalt  }
0x87: {  	_ =	shalt  }
.Lfunc_end0:
.L_simem_size_0:
called_computation_lowered:
.L_overlay_start_0:
0x88: {  	s2 =	sld [smem:$0x3FD9]  }
0x89: {  	s3 =	sld [smem:$0x3FFE];
	_ =	sdelay $0x1  }
0x8a: {  	s1 =	srdreg.scid  }
0x8b: {  	s0 =	sand.u32 $0x1, s1  }
0x8c: {  	s16 =	sshll.u32 s0, $0xA;
	s2 =	sadd.s32 s3, s2  }
0x8d: {  	s2 =	sadd.s32 s2, s16  }
0x8e: {  	[smem:$0x3FBC] =	sst s2  }
0x8f: {  	_ = 	snop  }
0x90: {  	(tm) =	ssettm $0x1  }
0x91: {  	s17 =	sld [smem:$0x3FFB];
	_ =	sdelay $0x3  }
0x92: {  	_ =	strace s17  }
0x93: {  	s2 =	sld [smem:$0x3FFC];
	_ =	sdelay $0x3  }
0x94: {  	_ =	strace s2  }
0x95: {  	s2 =	sld [smem:$0x3FFD];
	_ =	sdelay $0x3  }
0x96: {  	_ =	strace s2  }
0x97: {  	_ =	strace $0x8FFFFFFF  }
0x98: {  	s18 =	sld [smem:$0x3FDB];
	_ =	sdelay $0x1  }
0x99: {  	s19 =	simm.s32 $_scs_section_size  }
0x9a: {  	s4 =	simm.s32 $_size__tile_overlayer_lowered;
	s5 =	simm.s32 $_tile_overlayer_lowered  }
0x9b: {  	s22 =	simm.s32 $0x1BFF;
	s21 =	sshll.u32 s5, $0x1;
	s2 =	sadd.s32 s19, s18  }
0x9c: {  	s6 =	simm.s32 $0x0;
	s20 =	sshll.u32 s4, $0x1;
	s4 =	sadd.s32 s21, s2  }
0x9d: {  	[timem:s6], [sflag:s22] =	dma.local [hbm:s4], s20  }
0x9e: {  	_ =	swait.ge [sflag:s22], s20  }
0x9f: {  	s3 =	ssub.s32 $0x0, s20;
	[sflag:s22] =	ssyncset.done $0x0  }
0xa0: {  	[sflag:s22] =	ssyncadd.s32 s3;
	_ =	sdelay $0x1  }
0xa1: {  	s23 =	simm.s32 $0x1B8B  }
0xa2: {  	_ =	swait.ge [sflag:s23], $0x1  }
0xa3: {  	[sflag:s23] =	ssyncset.done $0x0  }
0xa4: {  	s25 =	simm.s32 $0x1B8E;
	s24 =	sld [smem:$0x3FFE];
	[sflag:s23] =	ssyncadd.s32 $0xFFFFFFFF  }
0xa5: {  	s26 =	simm.s32 $execute0_lowered;
	[smem:$0x3FD2] =	sst s25  }
0xa6: {  	s4 =	sshll.u32 s26, $0x1;
	_ =	strace $0x80000046;
	[dreg:$0x1] =	wrdreg $0xFFFFFFFF  }
0xa7: {  	s28 =	simm.s32 $_size_execute0_lowered;
	s2 =	sadd.s32 s2, s4;
	[dreg:$0x0] =	wrdreg $0x0  }
0xa8: {  	s4 =	sshll.u32 s28, $0x1;
	[dreg:$0x2] =	wrdreg s2  }
0xa9: {  	[dreg:$0x3] =	wrdreg s4  }
0xaa: {  	[dreg:$0x4] =	wrdreg $0xC0  }
0xab: {  	_ =	task [dreg:s6], $0x5FFFF  }
0xac: {  	[dreg:$0x1] =	wrdreg $0xFFFFFFFF  }
0xad: {  	[dreg:$0x0] =	wrdreg $0x60  }
0xae: {  	[dreg:$0x2] =	wrdreg s24  }
0xaf: {  	[dreg:$0x3] =	wrdreg $0x9  }
0xb0: {  	_ =	task.clear_ibuf [dreg:s6], $0x4FFFF;
	_ =	strace $0x90000046  }
0xb1: {  	s29 =	simm.s32 $0x9;
	_ =	strace $0x80000048  }
0xb2: {  	_ =	swait.ge [sflag:s29], $0x1  }
0xb3: {  	[sflag:s29] =	ssyncadd.s32 $0xFFFFFFFF  }
0xb4: {  	_ =	strace $0x90000048  }
0xb5: {  	_ =	sfence  }
0xb6: {  	s30 =	sld [smem:$0x0];
	_ =	sdelay $0x2  }
0xb7: {  	s31 =	sshll.u32 s1, $0xD;
	s1 =	sshrl.u32 s1, $0x2  }
0xb8: {  	s3 =	sand.u32 $0x4000, s31;
	s1 =	sadd.s32 s1, s30  }
0xb9: {  	s0 =	sor.u32 s3, s0;
	s1 =	sshll.u32 s1, $0x11  }
0xba: {  	s0 =	sor.u32 s1, s0  }
0xbb: {  	s0 =	sadd.s32 $0x8F2B, s0  }
0xbc: {  	[sflag:s0] =	ssyncadd.remote.s32 $0x1  }
0xbd: {  	_ =	sfence.sel $0xFFFF  }
0xbe: {  	[dreg:$0x0] =	wrdreg $0xFFFFFFFF;
	(pc) =	sbr.abs _section_cstart, $3  }
0xbf: {  	[dreg:$0x1] =	wrdreg $0xFFFFFFFF  }
0xc0: {  	_ =	task.clear_ibuf [dreg:s6], $0x2FFFF;
	_ =	strace $0x9FFFFFFF  }
0xc1: {  	(tm) =	ssettm $0x7FFFFFFF  }
tec
execute0_lowered:
.L_overlay_start_1:
0x0: {  	(tag) =	ssettag $0x1  }
0x1: {  	s0 =	srdreg.scid  }
0x2: {  	s1 =	sshll.u32 s0, $0x4  }
0x3: {  	s0 =	stileid.u32;
	s1 =	sand.u32 $0x10, s1  }
0x4: {  	s1 =	sor.u32 s0, s1  }
0x5: {  	s2 =	smul.u32 $0xF, s1  }
0x6: {  	s3 =	smin.u32 s1, $0x14  }
0x7: {  	s2 =	sadd.s32 s3, s2  }
0x8: {  	p0 =	slt.u32 s1, $0x14;
	s1 =	simm.s32 $0x1400;
	s2 =	smul.u32 $0x140, s2  }
0x9: {  	s1 =	simm.s32 @!p0 $0x12C0  }
0xa: {  	s1 =	sadd.s32 s1, s2  }
0xb: {  	s3 =	smin.u32 s1, $0x27100  }
0xc: {  	s7 =	ssub.s32 s3, s2  }
0xd: {  	p0 =	sgt.s32 s7, $0x0  }
0xe: {  	s7 =	simm.s32 @!p0 $0x0  }
0xf: {  	s31 =	smulhi.u32 $0x66666667, s7  }
0x10: {  	s9 =	rddreg [dreg:$0x0];
	s6 =	simm.s32 $0x1;
	s11 =	simm.s32 $0x3  }
0x11: {  	s13 =	simm.s32 $0x0;
	s12 =	simm.s32 $0x0;
	s8 =	sshrl.u32 s31, $0x7  }
0x12: {  	s4 =	sadd.s32 $0x3000, s9;
	s5 =	sadd.s32 $0x274000, s9;
	s10 =	smul.u32 $0x140, s8  }
.Ltmp0:
0x13: {  	s9 =	sadd.s32 $0x340600, s9;
	s1 =	rddreg [dreg:$0x1];
	(pc) =	sbr.rel .LBB2_1-.Ltmp0, $4  }
0x14: {  	_ =	strace $0x80000047;
	p0 =	sne.s32 s7, s10;
	s10 =	simm.s32 $0x1  }
0x15: {  	[sflag:s6] =	ssyncpa.u1 $0x0;
	s7 =	simm.s32 $0x2;
	s10 =	simm.s32 @!p0 $0x0  }
0x16: {  	[sflag:s7] =	ssyncpa.u1 $0x0;
	p0 =	por $0x0, $0x0;
	s8 =	sadd.s32 s10, s8  }
0x17: {  	vm0 =	vmmov $0xff;
	vm1 =	vcmask $0x3F20;
	[sflag:s11] =	ssyncpa.u1 $0x0;
	s11 =	smov.u32 s2;
	s10 =	sadd.s32 $0x1, s8  }
.LBB2_6:
0x18: {  	[hbm:s17] =	stream.linear.scatter [tilespmem:s14], [sflag:$0x3], $0x400, $0x38;
	[tilespmem:$0x14280] =	vst v63  }
.LBB2_7:
0x19: {  	s13 =	sadd.s32 $0x140, s11  }
0x1a: {  	s15 =	smov.u32 s2;
	p2 =	slt.s32 s13, s3  }
0x1b: {  	s15 =	smov.u32 @p2 s13;
	p2 =	sne.s32 s12, s10  }
.Ltmp1:
0x1c: {  	p1 =	slt.u32 s12, $0x2;
	(pc) =	sbr.rel @!p2 .LBB2_8-.Ltmp1, $4  }
0x1d: {  	s14 =	simm.s32 @!p1 $0x3  }
0x1e: {  	s16 =	sadd.s32 $0x1, s12;
	_ =	swait.ge @!p1 [sflag:s14], $0xA000  }
0x1f: {  	p0 =	por !p0, !p0;
	s13 =	smov.u32 s11;
	[sflag:s14] =	ssyncset.done @!p1 $0x0  }
0x20: {  	s12 =	smov.u32 s16;
	s11 =	smov.u32 s15;
	[sflag:s14] =	ssyncadd.s32 @!p1 $0xFFFF6000  }
.LBB2_1:
0x21: {  	p1 =	sge.u32 s12, s8  }
0x22: {  	s14 =	sxor.u32 @!p1 $0xFFFFFFFF, s12  }
0x23: {  	s14 =	sand.u32 @!p1 $0x1, s14  }
0x24: {  	s14 =	smul.u32 @!p1 $0x500, s14  }
0x25: {  	s31 =	sadd.s32 $0xFFFFFFFF, s12;
	s15 =	sshrl.u32 @!p1 s11, $0x3  }
0x26: {  	s16 =	sand.u32 @!p1 $0x7, s11;
	s15 =	sadd.s32 @!p1 s5, s15;
	s14 =	sshrl.u32 @!p1 s14, $0x2  }
0x27: {  	[tilespmem:s14], [sflag:$0x2] =	stream.linear.gather @!p1 [hbm4b:s15+s16], $0x140, $0x38;
	[tilespmem:$0x14280] =	vst v63  }
0x28: {  	p1 =	sge.u32 s31, s8  }
.Ltmp2:
0x29: {  	_ = 	snop;
	(pc) =	sbr.rel @p1 .LBB2_7-.Ltmp2, $1  }
0x2a: {  	_ =	sdelay $0x3  }
0x2b: {  	s14 =	simm.s32 $0x1  }
0x2c: {  	s14 =	simm.s32 @!p0 $0x0  }
0x2d: {  	s15 =	smul.u32 $0x500, s14  }
0x2e: {  	_ =	swait.ge [sflag:s7], $0x140  }
0x2f: {  	[sflag:s7] =	ssyncset.done $0x0;
	s16 =	sshrl.u32 s15, $0x2  }
0x30: {  	[sflag:s7] =	ssyncadd.s32 $0xFFFFFEC0;
	s15 =	sadd.s32 $0x0, s16  }
0x31: {  	v0 =	vld.msk [tilespmem:s15+$0x0 ss:$0x1], $0xffff;
	_ =	sdelay $0x4  }
0x32: {  	vm2 =	vgt.s32 v0, $0x0  }
0x33: {  	v0 =	vnsel vm2, $0x0, v0  }
0x34: {  	v0 =	vmin.u32 v0, $0x270FF  }
0x35: {  	v0 =	vshll.u32 v0, $0x4  }
0x36: {  	s14 =	smul.u32 $0x28000, s14;
	_ =	sdelay $0x1  }
0x37: {  	s14 =	sshrl.u32 s14, $0x2  }
0x38: {  	s14 =	sor.u32 $0x280, s14  }
0x39: {  	[tilespmem:s14], [sflag:$0x1] =	stream.indirect_vreg.gather [hbm:s4], $0x80, v0, vm0, $0x38;
	[tilespmem:$0x14280] =	vst v63  }
0x3a: {  	s17 =	sadd.s32 $0x10, s16;
	s15 =	sadd.s32 $0x400, s14  }
0x3b: {  	[tilespmem:s15], [sflag:$0x1] =	stream.indirect_vreg.gather [hbm:s4], $0x80, v0, vm1, $0x38;
	[tilespmem:$0x14280] =	vst v63  }
0x3c: {  	s18 =	simm.s32 $0x80;
	v0 =	vld.msk [tilespmem:s17+$0x0 ss:$0x1], $0xffff;
	s17 =	smov.u32 s14  }
.LBB2_3:
0x3d: {  	p1 =	sne.s32 s18, $0x4C0;
	_ =	sdelay $0x4  }
0x3e: {  	vm2 =	vgt.s32 v0, $0x0  }
0x3f: {  	v0 =	vnsel vm2, $0x0, v0  }
0x40: {  	v0 =	vmin.u32 v0, $0x270FF  }
0x41: {  	v0 =	vshll.u32 v0, $0x4;
	_ =	sdelay $0x3  }
.Ltmp3:
0x42: {  	s19 =	sshra.s32 s18, $0x2;
	s17 =	sadd.s32 $0x800, s17;
	(pc) =	sbr.rel @p1 .LBB2_3-.Ltmp3, $4  }
0x43: {  	[tilespmem:s17], [sflag:$0x1] =	stream.indirect_vreg.gather [hbm:s4], $0x80, v0, vm0, $0x38;
	[tilespmem:$0x14280] =	vst v63  }
0x44: {  	s19 =	sadd.s32 s19, s16;
	s20 =	sadd.s32 $0x400, s17  }
0x45: {  	[tilespmem:s20], [sflag:$0x1] =	stream.indirect_vreg.gather [hbm:s4], $0x80, v0, vm1, $0x38;
	[tilespmem:$0x14280] =	vst v63  }
0x46: {  	s18 =	sadd.s32 $0x40, s18;
	v0 =	vld.msk [tilespmem:s19+$0x0 ss:$0x1], $0xffff  }
0x47: {  	_ =	sdelay $0x3  }
0x48: {  	vm2 =	vgt.s32 v0, $0x0  }
0x49: {  	v0 =	vnsel vm2, $0x0, v0  }
0x4a: {  	v0 =	vmin.u32 v0, $0x270FF  }
0x4b: {  	v0 =	vshll.u32 v0, $0x4;
	_ =	sdelay $0x3  }
0x4c: {  	s16 =	sadd.s32 $0x800, s17  }
0x4d: {  	[tilespmem:s16], [sflag:$0x1] =	stream.indirect_vreg.gather [hbm:s4], $0x80, v0, vm0, $0x38;
	[tilespmem:$0x14280] =	vst v63  }
0x4e: {  	s16 =	sadd.s32 $0x400, s16  }
0x4f: {  	[tilespmem:s16], [sflag:$0x1] =	stream.indirect_vreg.gather [hbm:s4], $0x80, v0, vm1, $0x38;
	[tilespmem:$0x14280] =	vst v63  }
0x50: {  	s13 =	sshll.u32 s13, $0x4;
	_ =	swait.ge [sflag:s6], $0xA000  }
0x51: {  	s13 =	sadd.s32 s13, s9;
	[sflag:s6] =	ssyncset.done $0x0  }
0x52: {  	s17 =	sadd.s32 $0x0, s13;
	s16 =	simm.s32 $0x80;
	[sflag:s6] =	ssyncadd.s32 $0xFFFF6000  }
.LBB2_5:
0x53: {  	[hbm:s17] =	stream.linear.scatter [tilespmem:s14], [sflag:$0x3], $0x400, $0x38;
	[tilespmem:$0x14280] =	vst v63  }
0x54: {  	s17 =	smov.u32 s16;
	s14 =	smov.u32 s15;
	p1 =	sne.s32 s16, $0x1380  }
.Ltmp4:
0x55: {  	s16 =	sadd.s32 $0x80, s16;
	(pc) =	sbr.rel @p1 .LBB2_5-.Ltmp4, $2  }
0x56: {  	_ =	sdelay $0x2  }
0x57: {  	s15 =	sadd.s32 $0x400, s15;
	s17 =	sadd.s32 s17, s13  }
.Ltmp5:
0x58: {  	_ = 	snop;
	(pc) =	sbr.rel .LBB2_6-.Ltmp5, $1  }
0x59: {  	_ =	sdelay $0x3  }
.LBB2_8:
0x5a: {  	_ =	sfence.sel $0x180000  }
0x5b: {  	s2 =	simm.s32 $0x2;
	[bflag:$0x0] =	sbarrier.arrive $0xFFFF  }
0x5c: {  	s30 =	simm.s32 $0x3;
	[sflag:s2] =	ssyncpa.u1 $0x1  }
0x5d: {  	s31 =	simm.s32 $0x1;
	[sflag:s30] =	ssyncpa.u1 $0x1  }
0x5e: {  	[sflag:s31] =	ssyncpa.u1 $0x1  }
0x5f: {  	p0 =	sne.s32 s0, $0x0;
	_ =	strace $0x90000047  }
0x60: {  	s0 =	sadd.s32 @!p0 $0x100000, s1;
	[bflag:$0x2] =	sbarrier.arrive $0xFFFF  }
0x61: {  	[sflag:s0] =	ssyncadd.tile.s32 @!p0 $0x1;
	_ =	shalt  }
.Lfunc_end2:
_tile_overlayer_lowered:
.L_overlay_start_2:
0x62: {  	(tag) =	ssettag $0x2  }
0x63: {  	s0 =	rddreg [dreg:$0x0];
	s2 =	stileid.u32  }
0x64: {  	s1 =	rddreg [dreg:$0x1];
	p0 =	sne.s32 s2, $0x0  }
0x65: {  	s3 =	rddreg [dreg:$0x2];
	[bflag:$0x3] =	sbarrier.arrive $0xFFFF;
	s2 =	simm.s32 @!p0 $0x1C01  }
0x66: {  	[timem:s3], [sflag:s2] =	dma.local @!p0 [hbm:s0], s1  }
0x67: {  	s0 =	simm.s32 @!p0 $0x1  }
0x68: {  	_ =	swait.ge @!p0 [sflag:s0], s1  }
0x69: {  	s1 =	ssub.s32 @!p0 $0x0, s1;
	[sflag:s0] =	ssyncset.done @!p0 $0x0  }
0x6a: {  	[sflag:s0] =	ssyncadd.s32 @!p0 s1  }
0x6b: {  	[bflag:$0x3] =	sbarrier.arrive $0xFFFF  }
0x6c: {  	_ =	shalt  }

</sc_bundles>
